<compile_context>
chip_gen: v7x
topology: tpu7x:2x2x1
jax: 0.10.2.dev20260603
libtpu: 0.0.44.dev20260713+nightly
codegen_flags: <defaults>
</compile_context>

<pallas_src>
import jax
import jax.numpy as jnp
from jax import lax
from jax.experimental import pallas as pl
from jax.experimental.pallas import tpu as pltpu
from jax.experimental.pallas import tpu_sc as plsc

_D = 32
_NC, _NS = 2, 16
_NW = _NC * _NS
_CHUNK = 128
_NFIRE = 8
_SUPER = _CHUNK * _NFIRE


def _gather_body(ids_hbm, offs_hbm, table_hbm, out_hbm,
                 idx_v, offs_v, buf0, buf1, gsem0, gsem1):
    wid = lax.axis_index("s") * _NC + lax.axis_index("c")
    n_chunks = ids_hbm.shape[1]
    n_super = n_chunks // _NFIRE
    rows_per_w = n_chunks * _CHUNK
    base = wid * rows_per_w

    pltpu.sync_copy(ids_hbm.at[wid], idx_v)
    pltpu.sync_copy(offs_hbm, offs_v)
    off = offs_v[...]

    def _add_off(j, carry):
        for k in range(_CHUNK // 16):
            sl = (j, pl.ds(k * 16, 16))
            idx_v[sl] = idx_v[sl] + off
        return carry
    lax.fori_loop(0, n_chunks, _add_off, 0)

    def _fire(s, buf, sem):
        for k in range(_NFIRE):
            pltpu.async_copy(
                table_hbm.at[idx_v.at[s * _NFIRE + k]],
                buf.at[pl.ds(k * _CHUNK, _CHUNK)],
                sem)

    def _drain(buf, sem):
        for k in range(_NFIRE):
            pltpu.make_async_copy(
                table_hbm.at[idx_v.at[0]],
                buf.at[pl.ds(k * _CHUNK, _CHUNK)],
                sem).wait()

    def _super_pair(s2, carry):
        s = s2 * 2
        _fire(s, buf0, gsem0)
        _drain(buf0, gsem0)
        _fire(s + 1, buf1, gsem1)
        pltpu.sync_copy(buf0, out_hbm.at[pl.ds(base + s * _SUPER, _SUPER)])
        _drain(buf1, gsem1)
        pltpu.sync_copy(buf1, out_hbm.at[pl.ds(base + (s + 1) * _SUPER, _SUPER)])
        return carry
    lax.fori_loop(0, n_super // 2, _super_pair, 0)


def kernel(input_ids, embedding, offsets):
    B, T, H = input_ids.shape
    R = B * T * H
    rows_per_w = R // _NW
    n_chunks = rows_per_w // _CHUNK

    ids_flat = input_ids.reshape(_NW, n_chunks, _CHUNK).astype(jnp.int32)
    offs16 = jnp.tile(offsets.astype(jnp.int32), 16 // H)

    mesh = plsc.VectorSubcoreMesh(core_axis_name="c", subcore_axis_name="s",
                                  num_cores=_NC, num_subcores=_NS)
    run = pl.kernel(
        _gather_body,
        out_type=jax.ShapeDtypeStruct((R, _D), jnp.float32),
        mesh=mesh,
        scratch_types=[
            pltpu.VMEM((n_chunks, _CHUNK), jnp.int32),
            pltpu.VMEM((16,), jnp.int32),
            pltpu.VMEM((_SUPER, _D), jnp.float32),
            pltpu.VMEM((_SUPER, _D), jnp.float32),
            pltpu.SemaphoreType.DMA,
            pltpu.SemaphoreType.DMA,
        ],
        compiler_params=pltpu.CompilerParams(use_tc_tiling_on_sc=False),
    )
    out = run(ids_flat, offs16, embedding)
    return out.reshape(B, T, H, _D)

# --- scband reference (transcript-rebuilt; emitter-appended) ---
"""Pipeline reference for scband-engram-6536940225178 (READ-ONLY COPY).

The authoritative reference and input builder live on the scoring server;
editing this copy changes nothing except your own understanding.
"""

import jax, jax.numpy as jnp
import numpy as np

LIST_OF_N = [100003, 100019, 100043, 100057, 100069, 100103, 100109, 100129]
D = 32
B, T = 4, 4096
H = len(LIST_OF_N)


def setup_inputs(seed: int = 0) -> dict:
    key = jax.random.key(seed)
    k1, k2 = jax.random.split(key)
    # indices must be in-range for every head: use min(LIST_OF_N) as upper bound
    input_ids = jax.random.randint(k1, (B, T, H), 0, min(LIST_OF_N))
    total_N = int(sum(LIST_OF_N))
    embedding = jax.random.normal(k2, (total_N, D), dtype=jnp.float32) * 0.02
    offsets = jnp.asarray(np.concatenate([[0], np.cumsum(LIST_OF_N[:-1])]).astype(np.int32))
    return {"input_ids": input_ids, "embedding": embedding, "offsets": offsets}


def reference(input_ids, embedding, offsets):
    # MultiHeadEmbedding.forward: shift per-head ids into the concatenated table, then gather
    shifted_input_ids = input_ids + offsets  # (B, T, H) + (H,) broadcast
    output = jnp.take(embedding, shifted_input_ids, axis=0)  # (B, T, H, D)
    return output

if __name__ == "__main__":
    import jax
    _d = setup_inputs()
    print(jax.jit(kernel)(*tuple(_d.values())))

</pallas_src>

<mosaic_0001>
#map = affine_map<(d0, d1) -> (0, 0, 0)>
#map1 = affine_map<(d0, d1) -> (0)>
#map2 = affine_map<(d0, d1) -> (0, 0)>
module attributes {stable_mosaic.version = 14 : i64} {
  func.func @_gather_body(%arg0: i32, %arg1: i32, %arg2: memref<32x32x128xi32, #tpu.memory_space<hbm>>, %arg3: memref<16xi32, #tpu.memory_space<hbm>>, %arg4: memref<800532x32xf32, #tpu.memory_space<hbm>>, %arg5: memref<131072x32xf32, #tpu.memory_space<hbm>>, %arg6: memref<32x128xi32, #tpu.memory_space<vmem>>, %arg7: memref<16xi32, #tpu.memory_space<vmem>>, %arg8: memref<1024x32xf32, #tpu.memory_space<vmem>>, %arg9: memref<1024x32xf32, #tpu.memory_space<vmem>>, %arg10: memref<!tpu.dma_semaphore, #tpu.memory_space<semaphore_mem>>, %arg11: memref<!tpu.dma_semaphore, #tpu.memory_space<semaphore_mem>>) attributes {dimension_semantics = [#tpu.dimension_semantics<core_parallel>, #tpu.dimension_semantics<subcore_parallel>], iteration_bounds = array<i64: 2, 16>, scalar_prefetch = 0 : i64, scratch_operands = 6 : i64, tpu.core_type = #tpu.core_type<sc_vector_subcore>, window_params = [{transform_indices = #map}, {transform_indices = #map1}, {transform_indices = #map2}, {transform_indices = #map2}]} {
    %mul3A = arith.constant 2 : i32
    %mul3A_0 = arith.muli %arg1, %mul3A : i32
    %add3A = arith.addi %mul3A_0, %arg0 : i32
    %mul3A_1 = arith.constant 4096 : i32
    %mul3A_2 = arith.muli %add3A, %mul3A_1 : i32
    "tpu.region"() ({
      %run_scoped3A = tpu.sem_alloc : memref<!tpu.dma_semaphore, #tpu.memory_space<semaphore_mem>>
      %dma_start3A = arith.constant 0 : i32
      %dma_start3A_16 = arith.constant 0 : i32
      %dma_start3A_17 = tpu.memref_slice %arg2[%add3A, %dma_start3A, %dma_start3A_16] : memref<32x32x128xi32, #tpu.memory_space<hbm>> -> memref<1x32x128xi32, #tpu.memory_space<hbm>>
      %dma_start3A_18 = tpu.memref_squeeze %dma_start3A_17 : memref<1x32x128xi32, #tpu.memory_space<hbm>> -> memref<32x128xi32, #tpu.memory_space<hbm>>
      %dma_start3A_19 = arith.constant 0 : i32
      %dma_start3A_20 = arith.constant 0 : i32
      %dma_start3A_21 = tpu.memref_slice %arg2[%add3A, %dma_start3A_19, %dma_start3A_20] : memref<32x32x128xi32, #tpu.memory_space<hbm>> -> memref<1x32x128xi32, #tpu.memory_space<hbm>>
      %dma_start3A_22 = tpu.memref_squeeze %dma_start3A_21 : memref<1x32x128xi32, #tpu.memory_space<hbm>> -> memref<32x128xi32, #tpu.memory_space<hbm>>
      tpu.enqueue_dma source(%dma_start3A_22 : memref<32x128xi32, #tpu.memory_space<hbm>>) target(%arg6 : memref<32x128xi32, #tpu.memory_space<vmem>>) target_semaphore(%run_scoped3A : memref<!tpu.dma_semaphore, #tpu.memory_space<semaphore_mem>>)
      %dma_wait3A = arith.constant 0 : i32
      %dma_wait3A_23 = arith.constant 0 : i32
      %dma_wait3A_24 = tpu.memref_slice %arg2[%add3A, %dma_wait3A, %dma_wait3A_23] : memref<32x32x128xi32, #tpu.memory_space<hbm>> -> memref<1x32x128xi32, #tpu.memory_space<hbm>>
      %dma_wait3A_25 = tpu.memref_squeeze %dma_wait3A_24 : memref<1x32x128xi32, #tpu.memory_space<hbm>> -> memref<32x128xi32, #tpu.memory_space<hbm>>
      %dma_wait3A_26 = arith.constant 0 : i32
      %dma_wait3A_27 = arith.constant 0 : i32
      %dma_wait3A_28 = tpu.memref_slice %arg2[%add3A, %dma_wait3A_26, %dma_wait3A_27] : memref<32x32x128xi32, #tpu.memory_space<hbm>> -> memref<1x32x128xi32, #tpu.memory_space<hbm>>
      %dma_wait3A_29 = tpu.memref_squeeze %dma_wait3A_28 : memref<1x32x128xi32, #tpu.memory_space<hbm>> -> memref<32x128xi32, #tpu.memory_space<hbm>>
      tpu.wait_dma2 semaphore(%run_scoped3A : memref<!tpu.dma_semaphore, #tpu.memory_space<semaphore_mem>>) src(%dma_wait3A_29 : memref<32x128xi32, #tpu.memory_space<hbm>>) dst(%arg6 : memref<32x128xi32, #tpu.memory_space<vmem>>)
      tpu.yield
    }) : () -> ()
    "tpu.region"() ({
      %run_scoped3A = tpu.sem_alloc : memref<!tpu.dma_semaphore, #tpu.memory_space<semaphore_mem>>
      tpu.enqueue_dma source(%arg3 : memref<16xi32, #tpu.memory_space<hbm>>) target(%arg7 : memref<16xi32, #tpu.memory_space<vmem>>) target_semaphore(%run_scoped3A : memref<!tpu.dma_semaphore, #tpu.memory_space<semaphore_mem>>)
      tpu.wait_dma2 semaphore(%run_scoped3A : memref<!tpu.dma_semaphore, #tpu.memory_space<semaphore_mem>>) src(%arg3 : memref<16xi32, #tpu.memory_space<hbm>>) dst(%arg7 : memref<16xi32, #tpu.memory_space<vmem>>)
      tpu.yield
    }) : () -> ()
    %get3A = arith.constant 0 : index
    %get3A_3 = tpu.vector_load %arg7[%get3A] {strides = array<i32>} : memref<16xi32, #tpu.memory_space<vmem>>, vector<16xi32>,
    %get3A_4 = vector.shape_cast %get3A_3 : vector<16xi32> to vector<16xi32>
    %scan3A = arith.constant 0 : i32
    %scan3A_5 = arith.constant 0 : i32
    %scan3A_6 = arith.constant 32 : i32
    %scan3A_7 = arith.addi %scan3A_5, %scan3A_6 : i32
    %scan3A_8 = arith.constant 1 : i32
    scf.for %scan3A_16 = %scan3A_5 to %scan3A_7 step %scan3A_8  : i32 {
      %get3A_17 = arith.index_cast %scan3A_16 : i32 to index
      %get3A_18 = arith.constant 0 : index
      %get3A_19 = tpu.vector_load %arg6[%get3A_17, %get3A_18] {strides = array<i32>} : memref<32x128xi32, #tpu.memory_space<vmem>>, vector<1x16xi32>,
      %get3A_20 = vector.shape_cast %get3A_19 : vector<1x16xi32> to vector<16xi32>
      %add3A_21 = arith.addi %get3A_20, %get3A_4 : vector<16xi32>
      %swap3A = arith.index_cast %scan3A_16 : i32 to index
      %swap3A_22 = arith.constant 0 : index
      %swap3A_23 = tpu.vector_load %arg6[%swap3A, %swap3A_22] {strides = array<i32>} : memref<32x128xi32, #tpu.memory_space<vmem>>, vector<1x16xi32>,
      %swap3A_24 = vector.shape_cast %swap3A_23 : vector<1x16xi32> to vector<16xi32>
      %swap3A_25 = vector.shape_cast %add3A_21 : vector<16xi32> to vector<1x16xi32>
      tpu.vector_store %arg6[%swap3A, %swap3A_22], %swap3A_25 {strides = array<i32>} : memref<32x128xi32, #tpu.memory_space<vmem>>, vector<1x16xi32>,
      %get3A_26 = arith.index_cast %scan3A_16 : i32 to index
      %get3A_27 = arith.constant 16 : index
      %get3A_28 = tpu.vector_load %arg6[%get3A_26, %get3A_27] {strides = array<i32>} : memref<32x128xi32, #tpu.memory_space<vmem>>, vector<1x16xi32>,
      %get3A_29 = vector.shape_cast %get3A_28 : vector<1x16xi32> to vector<16xi32>
      %add3A_30 = arith.addi %get3A_29, %get3A_4 : vector<16xi32>
      %swap3A_31 = arith.index_cast %scan3A_16 : i32 to index
      %swap3A_32 = arith.constant 16 : index
      %swap3A_33 = tpu.vector_load %arg6[%swap3A_31, %swap3A_32] {strides = array<i32>} : memref<32x128xi32, #tpu.memory_space<vmem>>, vector<1x16xi32>,
      %swap3A_34 = vector.shape_cast %swap3A_33 : vector<1x16xi32> to vector<16xi32>
      %swap3A_35 = vector.shape_cast %add3A_30 : vector<16xi32> to vector<1x16xi32>
      tpu.vector_store %arg6[%swap3A_31, %swap3A_32], %swap3A_35 {strides = array<i32>} : memref<32x128xi32, #tpu.memory_space<vmem>>, vector<1x16xi32>,
      %get3A_36 = arith.index_cast %scan3A_16 : i32 to index
      %get3A_37 = arith.constant 32 : index
      %get3A_38 = tpu.vector_load %arg6[%get3A_36, %get3A_37] {strides = array<i32>} : memref<32x128xi32, #tpu.memory_space<vmem>>, vector<1x16xi32>,
      %get3A_39 = vector.shape_cast %get3A_38 : vector<1x16xi32> to vector<16xi32>
      %add3A_40 = arith.addi %get3A_39, %get3A_4 : vector<16xi32>
      %swap3A_41 = arith.index_cast %scan3A_16 : i32 to index
      %swap3A_42 = arith.constant 32 : index
      %swap3A_43 = tpu.vector_load %arg6[%swap3A_41, %swap3A_42] {strides = array<i32>} : memref<32x128xi32, #tpu.memory_space<vmem>>, vector<1x16xi32>,
      %swap3A_44 = vector.shape_cast %swap3A_43 : vector<1x16xi32> to vector<16xi32>
      %swap3A_45 = vector.shape_cast %add3A_40 : vector<16xi32> to vector<1x16xi32>
      tpu.vector_store %arg6[%swap3A_41, %swap3A_42], %swap3A_45 {strides = array<i32>} : memref<32x128xi32, #tpu.memory_space<vmem>>, vector<1x16xi32>,
      %get3A_46 = arith.index_cast %scan3A_16 : i32 to index
      %get3A_47 = arith.constant 48 : index
      %get3A_48 = tpu.vector_load %arg6[%get3A_46, %get3A_47] {strides = array<i32>} : memref<32x128xi32, #tpu.memory_space<vmem>>, vector<1x16xi32>,
      %get3A_49 = vector.shape_cast %get3A_48 : vector<1x16xi32> to vector<16xi32>
      %add3A_50 = arith.addi %get3A_49, %get3A_4 : vector<16xi32>
      %swap3A_51 = arith.index_cast %scan3A_16 : i32 to index
      %swap3A_52 = arith.constant 48 : index
      %swap3A_53 = tpu.vector_load %arg6[%swap3A_51, %swap3A_52] {strides = array<i32>} : memref<32x128xi32, #tpu.memory_space<vmem>>, vector<1x16xi32>,
      %swap3A_54 = vector.shape_cast %swap3A_53 : vector<1x16xi32> to vector<16xi32>
      %swap3A_55 = vector.shape_cast %add3A_50 : vector<16xi32> to vector<1x16xi32>
      tpu.vector_store %arg6[%swap3A_51, %swap3A_52], %swap3A_55 {strides = array<i32>} : memref<32x128xi32, #tpu.memory_space<vmem>>, vector<1x16xi32>,
      %get3A_56 = arith.index_cast %scan3A_16 : i32 to index
      %get3A_57 = arith.constant 64 : index
      %get3A_58 = tpu.vector_load %arg6[%get3A_56, %get3A_57] {strides = array<i32>} : memref<32x128xi32, #tpu.memory_space<vmem>>, vector<1x16xi32>,
      %get3A_59 = vector.shape_cast %get3A_58 : vector<1x16xi32> to vector<16xi32>
      %add3A_60 = arith.addi %get3A_59, %get3A_4 : vector<16xi32>
      %swap3A_61 = arith.index_cast %scan3A_16 : i32 to index
      %swap3A_62 = arith.constant 64 : index
      %swap3A_63 = tpu.vector_load %arg6[%swap3A_61, %swap3A_62] {strides = array<i32>} : memref<32x128xi32, #tpu.memory_space<vmem>>, vector<1x16xi32>,
      %swap3A_64 = vector.shape_cast %swap3A_63 : vector<1x16xi32> to vector<16xi32>
      %swap3A_65 = vector.shape_cast %add3A_60 : vector<16xi32> to vector<1x16xi32>
      tpu.vector_store %arg6[%swap3A_61, %swap3A_62], %swap3A_65 {strides = array<i32>} : memref<32x128xi32, #tpu.memory_space<vmem>>, vector<1x16xi32>,
      %get3A_66 = arith.index_cast %scan3A_16 : i32 to index
      %get3A_67 = arith.constant 80 : index
      %get3A_68 = tpu.vector_load %arg6[%get3A_66, %get3A_67] {strides = array<i32>} : memref<32x128xi32, #tpu.memory_space<vmem>>, vector<1x16xi32>,
      %get3A_69 = vector.shape_cast %get3A_68 : vector<1x16xi32> to vector<16xi32>
      %add3A_70 = arith.addi %get3A_69, %get3A_4 : vector<16xi32>
      %swap3A_71 = arith.index_cast %scan3A_16 : i32 to index
      %swap3A_72 = arith.constant 80 : index
      %swap3A_73 = tpu.vector_load %arg6[%swap3A_71, %swap3A_72] {strides = array<i32>} : memref<32x128xi32, #tpu.memory_space<vmem>>, vector<1x16xi32>,
      %swap3A_74 = vector.shape_cast %swap3A_73 : vector<1x16xi32> to vector<16xi32>
      %swap3A_75 = vector.shape_cast %add3A_70 : vector<16xi32> to vector<1x16xi32>
      tpu.vector_store %arg6[%swap3A_71, %swap3A_72], %swap3A_75 {strides = array<i32>} : memref<32x128xi32, #tpu.memory_space<vmem>>, vector<1x16xi32>,
      %get3A_76 = arith.index_cast %scan3A_16 : i32 to index
      %get3A_77 = arith.constant 96 : index
      %get3A_78 = tpu.vector_load %arg6[%get3A_76, %get3A_77] {strides = array<i32>} : memref<32x128xi32, #tpu.memory_space<vmem>>, vector<1x16xi32>,
      %get3A_79 = vector.shape_cast %get3A_78 : vector<1x16xi32> to vector<16xi32>
      %add3A_80 = arith.addi %get3A_79, %get3A_4 : vector<16xi32>
      %swap3A_81 = arith.index_cast %scan3A_16 : i32 to index
      %swap3A_82 = arith.constant 96 : index
      %swap3A_83 = tpu.vector_load %arg6[%swap3A_81, %swap3A_82] {strides = array<i32>} : memref<32x128xi32, #tpu.memory_space<vmem>>, vector<1x16xi32>,
      %swap3A_84 = vector.shape_cast %swap3A_83 : vector<1x16xi32> to vector<16xi32>
      %swap3A_85 = vector.shape_cast %add3A_80 : vector<16xi32> to vector<1x16xi32>
      tpu.vector_store %arg6[%swap3A_81, %swap3A_82], %swap3A_85 {strides = array<i32>} : memref<32x128xi32, #tpu.memory_space<vmem>>, vector<1x16xi32>,
      %get3A_86 = arith.index_cast %scan3A_16 : i32 to index
      %get3A_87 = arith.constant 112 : index
      %get3A_88 = tpu.vector_load %arg6[%get3A_86, %get3A_87] {strides = array<i32>} : memref<32x128xi32, #tpu.memory_space<vmem>>, vector<1x16xi32>,
      %get3A_89 = vector.shape_cast %get3A_88 : vector<1x16xi32> to vector<16xi32>
      %add3A_90 = arith.addi %get3A_89, %get3A_4 : vector<16xi32>
      %swap3A_91 = arith.index_cast %scan3A_16 : i32 to index
      %swap3A_92 = arith.constant 112 : index
      %swap3A_93 = tpu.vector_load %arg6[%swap3A_91, %swap3A_92] {strides = array<i32>} : memref<32x128xi32, #tpu.memory_space<vmem>>, vector<1x16xi32>,
      %swap3A_94 = vector.shape_cast %swap3A_93 : vector<1x16xi32> to vector<16xi32>
      %swap3A_95 = vector.shape_cast %add3A_90 : vector<16xi32> to vector<1x16xi32>
      tpu.vector_store %arg6[%swap3A_91, %swap3A_92], %swap3A_95 {strides = array<i32>} : memref<32x128xi32, #tpu.memory_space<vmem>>, vector<1x16xi32>,
    }
    %scan3A_9 = arith.constant 32 : i32
    %scan3A_10 = arith.constant 0 : i32
    %scan3A_11 = arith.constant 0 : i32
    %scan3A_12 = arith.constant 2 : i32
    %scan3A_13 = arith.addi %scan3A_11, %scan3A_12 : i32
    %scan3A_14 = arith.constant 1 : i32
    scf.for %scan3A_16 = %scan3A_11 to %scan3A_13 step %scan3A_14  : i32 {
      %mul3A_17 = arith.constant 2 : i32
      %mul3A_18 = arith.muli %scan3A_16, %mul3A_17 : i32
      %mul3A_19 = arith.constant 8 : i32
      %mul3A_20 = arith.muli %mul3A_18, %mul3A_19 : i32
      %add3A_21 = arith.constant 0 : i32
      %add3A_22 = arith.addi %mul3A_20, %add3A_21 : i32
      %dma_start3A = arith.constant 0 : i32
      %dma_start3A_23 = arith.constant 0 : i32
      %dma_start3A_24 = tpu.memref_slice %arg8[%dma_start3A, %dma_start3A_23] : memref<1024x32xf32, #tpu.memory_space<vmem>> -> memref<128x32xf32, #tpu.memory_space<vmem>>
      %dma_start3A_25 = arith.constant 0 : i32
      %dma_start3A_26 = tpu.memref_slice %arg6[%add3A_22, %dma_start3A_25] : memref<32x128xi32, #tpu.memory_space<vmem>> -> memref<1x128xi32, #tpu.memory_space<vmem>>
      %dma_start3A_27 = tpu.memref_squeeze %dma_start3A_26 : memref<1x128xi32, #tpu.memory_space<vmem>> -> memref<128xi32, #tpu.memory_space<vmem>>
      %dma_start3A_28 = arith.constant 0 : i32
      %dma_start3A_29 = arith.constant 0 : i32
      %dma_start3A_30 = tpu.memref_slice %arg4[%dma_start3A_28, %dma_start3A_29] : memref<800532x32xf32, #tpu.memory_space<hbm>> -> memref<800532x32xf32, #tpu.memory_space<hbm>>
      tpu.enqueue_indirect_dma source(%dma_start3A_30 : memref<800532x32xf32, #tpu.memory_space<hbm>>) target(%dma_start3A_24 : memref<128x32xf32, #tpu.memory_space<vmem>>) offsets(%dma_start3A_27 : memref<128xi32, #tpu.memory_space<vmem>>) semaphore(%arg10 : memref<!tpu.dma_semaphore, #tpu.memory_space<semaphore_mem>>)
      %mul3A_31 = arith.constant 8 : i32
      %mul3A_32 = arith.muli %mul3A_18, %mul3A_31 : i32
      %add3A_33 = arith.constant 1 : i32
      %add3A_34 = arith.addi %mul3A_32, %add3A_33 : i32
      %dma_start3A_35 = arith.constant 128 : i32
      %dma_start3A_36 = arith.constant 0 : i32
      %dma_start3A_37 = tpu.memref_slice %arg8[%dma_start3A_35, %dma_start3A_36] : memref<1024x32xf32, #tpu.memory_space<vmem>> -> memref<128x32xf32, #tpu.memory_space<vmem>>
      %dma_start3A_38 = arith.constant 0 : i32
      %dma_start3A_39 = tpu.memref_slice %arg6[%add3A_34, %dma_start3A_38] : memref<32x128xi32, #tpu.memory_space<vmem>> -> memref<1x128xi32, #tpu.memory_space<vmem>>
      %dma_start3A_40 = tpu.memref_squeeze %dma_start3A_39 : memref<1x128xi32, #tpu.memory_space<vmem>> -> memref<128xi32, #tpu.memory_space<vmem>>
      %dma_start3A_41 = arith.constant 0 : i32
      %dma_start3A_42 = arith.constant 0 : i32
      %dma_start3A_43 = tpu.memref_slice %arg4[%dma_start3A_41, %dma_start3A_42] : memref<800532x32xf32, #tpu.memory_space<hbm>> -> memref<800532x32xf32, #tpu.memory_space<hbm>>
      tpu.enqueue_indirect_dma source(%dma_start3A_43 : memref<800532x32xf32, #tpu.memory_space<hbm>>) target(%dma_start3A_37 : memref<128x32xf32, #tpu.memory_space<vmem>>) offsets(%dma_start3A_40 : memref<128xi32, #tpu.memory_space<vmem>>) semaphore(%arg10 : memref<!tpu.dma_semaphore, #tpu.memory_space<semaphore_mem>>)
      %mul3A_44 = arith.constant 8 : i32
      %mul3A_45 = arith.muli %mul3A_18, %mul3A_44 : i32
      %add3A_46 = arith.constant 2 : i32
      %add3A_47 = arith.addi %mul3A_45, %add3A_46 : i32
      %dma_start3A_48 = arith.constant 256 : i32
      %dma_start3A_49 = arith.constant 0 : i32
      %dma_start3A_50 = tpu.memref_slice %arg8[%dma_start3A_48, %dma_start3A_49] : memref<1024x32xf32, #tpu.memory_space<vmem>> -> memref<128x32xf32, #tpu.memory_space<vmem>>
      %dma_start3A_51 = arith.constant 0 : i32
      %dma_start3A_52 = tpu.memref_slice %arg6[%add3A_47, %dma_start3A_51] : memref<32x128xi32, #tpu.memory_space<vmem>> -> memref<1x128xi32, #tpu.memory_space<vmem>>
      %dma_start3A_53 = tpu.memref_squeeze %dma_start3A_52 : memref<1x128xi32, #tpu.memory_space<vmem>> -> memref<128xi32, #tpu.memory_space<vmem>>
      %dma_start3A_54 = arith.constant 0 : i32
      %dma_start3A_55 = arith.constant 0 : i32
      %dma_start3A_56 = tpu.memref_slice %arg4[%dma_start3A_54, %dma_start3A_55] : memref<800532x32xf32, #tpu.memory_space<hbm>> -> memref<800532x32xf32, #tpu.memory_space<hbm>>
      tpu.enqueue_indirect_dma source(%dma_start3A_56 : memref<800532x32xf32, #tpu.memory_space<hbm>>) target(%dma_start3A_50 : memref<128x32xf32, #tpu.memory_space<vmem>>) offsets(%dma_start3A_53 : memref<128xi32, #tpu.memory_space<vmem>>) semaphore(%arg10 : memref<!tpu.dma_semaphore, #tpu.memory_space<semaphore_mem>>)
      %mul3A_57 = arith.constant 8 : i32
      %mul3A_58 = arith.muli %mul3A_18, %mul3A_57 : i32
      %add3A_59 = arith.constant 3 : i32
      %add3A_60 = arith.addi %mul3A_58, %add3A_59 : i32
      %dma_start3A_61 = arith.constant 384 : i32
      %dma_start3A_62 = arith.constant 0 : i32
      %dma_start3A_63 = tpu.memref_slice %arg8[%dma_start3A_61, %dma_start3A_62] : memref<1024x32xf32, #tpu.memory_space<vmem>> -> memref<128x32xf32, #tpu.memory_space<vmem>>
      %dma_start3A_64 = arith.constant 0 : i32
      %dma_start3A_65 = tpu.memref_slice %arg6[%add3A_60, %dma_start3A_64] : memref<32x128xi32, #tpu.memory_space<vmem>> -> memref<1x128xi32, #tpu.memory_space<vmem>>
      %dma_start3A_66 = tpu.memref_squeeze %dma_start3A_65 : memref<1x128xi32, #tpu.memory_space<vmem>> -> memref<128xi32, #tpu.memory_space<vmem>>
      %dma_start3A_67 = arith.constant 0 : i32
      %dma_start3A_68 = arith.constant 0 : i32
      %dma_start3A_69 = tpu.memref_slice %arg4[%dma_start3A_67, %dma_start3A_68] : memref<800532x32xf32, #tpu.memory_space<hbm>> -> memref<800532x32xf32, #tpu.memory_space<hbm>>
      tpu.enqueue_indirect_dma source(%dma_start3A_69 : memref<800532x32xf32, #tpu.memory_space<hbm>>) target(%dma_start3A_63 : memref<128x32xf32, #tpu.memory_space<vmem>>) offsets(%dma_start3A_66 : memref<128xi32, #tpu.memory_space<vmem>>) semaphore(%arg10 : memref<!tpu.dma_semaphore, #tpu.memory_space<semaphore_mem>>)
      %mul3A_70 = arith.constant 8 : i32
      %mul3A_71 = arith.muli %mul3A_18, %mul3A_70 : i32
      %add3A_72 = arith.constant 4 : i32
      %add3A_73 = arith.addi %mul3A_71, %add3A_72 : i32
      %dma_start3A_74 = arith.constant 512 : i32
      %dma_start3A_75 = arith.constant 0 : i32
      %dma_start3A_76 = tpu.memref_slice %arg8[%dma_start3A_74, %dma_start3A_75] : memref<1024x32xf32, #tpu.memory_space<vmem>> -> memref<128x32xf32, #tpu.memory_space<vmem>>
      %dma_start3A_77 = arith.constant 0 : i32
      %dma_start3A_78 = tpu.memref_slice %arg6[%add3A_73, %dma_start3A_77] : memref<32x128xi32, #tpu.memory_space<vmem>> -> memref<1x128xi32, #tpu.memory_space<vmem>>
      %dma_start3A_79 = tpu.memref_squeeze %dma_start3A_78 : memref<1x128xi32, #tpu.memory_space<vmem>> -> memref<128xi32, #tpu.memory_space<vmem>>
      %dma_start3A_80 = arith.constant 0 : i32
      %dma_start3A_81 = arith.constant 0 : i32
      %dma_start3A_82 = tpu.memref_slice %arg4[%dma_start3A_80, %dma_start3A_81] : memref<800532x32xf32, #tpu.memory_space<hbm>> -> memref<800532x32xf32, #tpu.memory_space<hbm>>
      tpu.enqueue_indirect_dma source(%dma_start3A_82 : memref<800532x32xf32, #tpu.memory_space<hbm>>) target(%dma_start3A_76 : memref<128x32xf32, #tpu.memory_space<vmem>>) offsets(%dma_start3A_79 : memref<128xi32, #tpu.memory_space<vmem>>) semaphore(%arg10 : memref<!tpu.dma_semaphore, #tpu.memory_space<semaphore_mem>>)
      %mul3A_83 = arith.constant 8 : i32
      %mul3A_84 = arith.muli %mul3A_18, %mul3A_83 : i32
      %add3A_85 = arith.constant 5 : i32
      %add3A_86 = arith.addi %mul3A_84, %add3A_85 : i32
      %dma_start3A_87 = arith.constant 640 : i32
      %dma_start3A_88 = arith.constant 0 : i32
      %dma_start3A_89 = tpu.memref_slice %arg8[%dma_start3A_87, %dma_start3A_88] : memref<1024x32xf32, #tpu.memory_space<vmem>> -> memref<128x32xf32, #tpu.memory_space<vmem>>
      %dma_start3A_90 = arith.constant 0 : i32
      %dma_start3A_91 = tpu.memref_slice %arg6[%add3A_86, %dma_start3A_90] : memref<32x128xi32, #tpu.memory_space<vmem>> -> memref<1x128xi32, #tpu.memory_space<vmem>>
      %dma_start3A_92 = tpu.memref_squeeze %dma_start3A_91 : memref<1x128xi32, #tpu.memory_space<vmem>> -> memref<128xi32, #tpu.memory_space<vmem>>
      %dma_start3A_93 = arith.constant 0 : i32
      %dma_start3A_94 = arith.constant 0 : i32
      %dma_start3A_95 = tpu.memref_slice %arg4[%dma_start3A_93, %dma_start3A_94] : memref<800532x32xf32, #tpu.memory_space<hbm>> -> memref<800532x32xf32, #tpu.memory_space<hbm>>
      tpu.enqueue_indirect_dma source(%dma_start3A_95 : memref<800532x32xf32, #tpu.memory_space<hbm>>) target(%dma_start3A_89 : memref<128x32xf32, #tpu.memory_space<vmem>>) offsets(%dma_start3A_92 : memref<128xi32, #tpu.memory_space<vmem>>) semaphore(%arg10 : memref<!tpu.dma_semaphore, #tpu.memory_space<semaphore_mem>>)
      %mul3A_96 = arith.constant 8 : i32
      %mul3A_97 = arith.muli %mul3A_18, %mul3A_96 : i32
      %add3A_98 = arith.constant 6 : i32
      %add3A_99 = arith.addi %mul3A_97, %add3A_98 : i32
      %dma_start3A_100 = arith.constant 768 : i32
      %dma_start3A_101 = arith.constant 0 : i32
      %dma_start3A_102 = tpu.memref_slice %arg8[%dma_start3A_100, %dma_start3A_101] : memref<1024x32xf32, #tpu.memory_space<vmem>> -> memref<128x32xf32, #tpu.memory_space<vmem>>
      %dma_start3A_103 = arith.constant 0 : i32
      %dma_start3A_104 = tpu.memref_slice %arg6[%add3A_99, %dma_start3A_103] : memref<32x128xi32, #tpu.memory_space<vmem>> -> memref<1x128xi32, #tpu.memory_space<vmem>>
      %dma_start3A_105 = tpu.memref_squeeze %dma_start3A_104 : memref<1x128xi32, #tpu.memory_space<vmem>> -> memref<128xi32, #tpu.memory_space<vmem>>
      %dma_start3A_106 = arith.constant 0 : i32
      %dma_start3A_107 = arith.constant 0 : i32
      %dma_start3A_108 = tpu.memref_slice %arg4[%dma_start3A_106, %dma_start3A_107] : memref<800532x32xf32, #tpu.memory_space<hbm>> -> memref<800532x32xf32, #tpu.memory_space<hbm>>
      tpu.enqueue_indirect_dma source(%dma_start3A_108 : memref<800532x32xf32, #tpu.memory_space<hbm>>) target(%dma_start3A_102 : memref<128x32xf32, #tpu.memory_space<vmem>>) offsets(%dma_start3A_105 : memref<128xi32, #tpu.memory_space<vmem>>) semaphore(%arg10 : memref<!tpu.dma_semaphore, #tpu.memory_space<semaphore_mem>>)
      %mul3A_109 = arith.constant 8 : i32
      %mul3A_110 = arith.muli %mul3A_18, %mul3A_109 : i32
      %add3A_111 = arith.constant 7 : i32
      %add3A_112 = arith.addi %mul3A_110, %add3A_111 : i32
      %dma_start3A_113 = arith.constant 896 : i32
      %dma_start3A_114 = arith.constant 0 : i32
      %dma_start3A_115 = tpu.memref_slice %arg8[%dma_start3A_113, %dma_start3A_114] : memref<1024x32xf32, #tpu.memory_space<vmem>> -> memref<128x32xf32, #tpu.memory_space<vmem>>
      %dma_start3A_116 = arith.constant 0 : i32
      %dma_start3A_117 = tpu.memref_slice %arg6[%add3A_112, %dma_start3A_116] : memref<32x128xi32, #tpu.memory_space<vmem>> -> memref<1x128xi32, #tpu.memory_space<vmem>>
      %dma_start3A_118 = tpu.memref_squeeze %dma_start3A_117 : memref<1x128xi32, #tpu.memory_space<vmem>> -> memref<128xi32, #tpu.memory_space<vmem>>
      %dma_start3A_119 = arith.constant 0 : i32
      %dma_start3A_120 = arith.constant 0 : i32
      %dma_start3A_121 = tpu.memref_slice %arg4[%dma_start3A_119, %dma_start3A_120] : memref<800532x32xf32, #tpu.memory_space<hbm>> -> memref<800532x32xf32, #tpu.memory_space<hbm>>
      tpu.enqueue_indirect_dma source(%dma_start3A_121 : memref<800532x32xf32, #tpu.memory_space<hbm>>) target(%dma_start3A_115 : memref<128x32xf32, #tpu.memory_space<vmem>>) offsets(%dma_start3A_118 : memref<128xi32, #tpu.memory_space<vmem>>) semaphore(%arg10 : memref<!tpu.dma_semaphore, #tpu.memory_space<semaphore_mem>>)
      %dma_wait3A = arith.constant 0 : i32
      %dma_wait3A_122 = arith.constant 0 : i32
      %dma_wait3A_123 = arith.constant 0 : i32
      %dma_wait3A_124 = tpu.memref_slice %arg8[%dma_wait3A_122, %dma_wait3A_123] : memref<1024x32xf32, #tpu.memory_space<vmem>> -> memref<128x32xf32, #tpu.memory_space<vmem>>
      %dma_wait3A_125 = arith.constant 0 : i32
      %dma_wait3A_126 = tpu.memref_slice %arg6[%dma_wait3A, %dma_wait3A_125] : memref<32x128xi32, #tpu.memory_space<vmem>> -> memref<1x128xi32, #tpu.memory_space<vmem>>
      %dma_wait3A_127 = tpu.memref_squeeze %dma_wait3A_126 : memref<1x128xi32, #tpu.memory_space<vmem>> -> memref<128xi32, #tpu.memory_space<vmem>>
      %dma_wait3A_128 = arith.constant 0 : i32
      %dma_wait3A_129 = arith.constant 0 : i32
      %dma_wait3A_130 = tpu.memref_slice %arg4[%dma_wait3A_128, %dma_wait3A_129] : memref<800532x32xf32, #tpu.memory_space<hbm>> -> memref<800532x32xf32, #tpu.memory_space<hbm>>
      tpu.wait_indirect_dma semaphore(%arg10 : memref<!tpu.dma_semaphore, #tpu.memory_space<semaphore_mem>>) src(%dma_wait3A_130 : memref<800532x32xf32, #tpu.memory_space<hbm>>) dst(%dma_wait3A_124 : memref<128x32xf32, #tpu.memory_space<vmem>>)
      %dma_wait3A_131 = arith.constant 0 : i32
      %dma_wait3A_132 = arith.constant 128 : i32
      %dma_wait3A_133 = arith.constant 0 : i32
      %dma_wait3A_134 = tpu.memref_slice %arg8[%dma_wait3A_132, %dma_wait3A_133] : memref<1024x32xf32, #tpu.memory_space<vmem>> -> memref<128x32xf32, #tpu.memory_space<vmem>>
      %dma_wait3A_135 = arith.constant 0 : i32
      %dma_wait3A_136 = tpu.memref_slice %arg6[%dma_wait3A_131, %dma_wait3A_135] : memref<32x128xi32, #tpu.memory_space<vmem>> -> memref<1x128xi32, #tpu.memory_space<vmem>>
      %dma_wait3A_137 = tpu.memref_squeeze %dma_wait3A_136 : memref<1x128xi32, #tpu.memory_space<vmem>> -> memref<128xi32, #tpu.memory_space<vmem>>
      %dma_wait3A_138 = arith.constant 0 : i32
      %dma_wait3A_139 = arith.constant 0 : i32
      %dma_wait3A_140 = tpu.memref_slice %arg4[%dma_wait3A_138, %dma_wait3A_139] : memref<800532x32xf32, #tpu.memory_space<hbm>> -> memref<800532x32xf32, #tpu.memory_space<hbm>>
      tpu.wait_indirect_dma semaphore(%arg10 : memref<!tpu.dma_semaphore, #tpu.memory_space<semaphore_mem>>) src(%dma_wait3A_140 : memref<800532x32xf32, #tpu.memory_space<hbm>>) dst(%dma_wait3A_134 : memref<128x32xf32, #tpu.memory_space<vmem>>)
      %dma_wait3A_141 = arith.constant 0 : i32
      %dma_wait3A_142 = arith.constant 256 : i32
      %dma_wait3A_143 = arith.constant 0 : i32
      %dma_wait3A_144 = tpu.memref_slice %arg8[%dma_wait3A_142, %dma_wait3A_143] : memref<1024x32xf32, #tpu.memory_space<vmem>> -> memref<128x32xf32, #tpu.memory_space<vmem>>
      %dma_wait3A_145 = arith.constant 0 : i32
      %dma_wait3A_146 = tpu.memref_slice %arg6[%dma_wait3A_141, %dma_wait3A_145] : memref<32x128xi32, #tpu.memory_space<vmem>> -> memref<1x128xi32, #tpu.memory_space<vmem>>
      %dma_wait3A_147 = tpu.memref_squeeze %dma_wait3A_146 : memref<1x128xi32, #tpu.memory_space<vmem>> -> memref<128xi32, #tpu.memory_space<vmem>>
      %dma_wait3A_148 = arith.constant 0 : i32
      %dma_wait3A_149 = arith.constant 0 : i32
      %dma_wait3A_150 = tpu.memref_slice %arg4[%dma_wait3A_148, %dma_wait3A_149] : memref<800532x32xf32, #tpu.memory_space<hbm>> -> memref<800532x32xf32, #tpu.memory_space<hbm>>
      tpu.wait_indirect_dma semaphore(%arg10 : memref<!tpu.dma_semaphore, #tpu.memory_space<semaphore_mem>>) src(%dma_wait3A_150 : memref<800532x32xf32, #tpu.memory_space<hbm>>) dst(%dma_wait3A_144 : memref<128x32xf32, #tpu.memory_space<vmem>>)
      %dma_wait3A_151 = arith.constant 0 : i32
      %dma_wait3A_152 = arith.constant 384 : i32
      %dma_wait3A_153 = arith.constant 0 : i32
      %dma_wait3A_154 = tpu.memref_slice %arg8[%dma_wait3A_152, %dma_wait3A_153] : memref<1024x32xf32, #tpu.memory_space<vmem>> -> memref<128x32xf32, #tpu.memory_space<vmem>>
      %dma_wait3A_155 = arith.constant 0 : i32
      %dma_wait3A_156 = tpu.memref_slice %arg6[%dma_wait3A_151, %dma_wait3A_155] : memref<32x128xi32, #tpu.memory_space<vmem>> -> memref<1x128xi32, #tpu.memory_space<vmem>>
      %dma_wait3A_157 = tpu.memref_squeeze %dma_wait3A_156 : memref<1x128xi32, #tpu.memory_space<vmem>> -> memref<128xi32, #tpu.memory_space<vmem>>
      %dma_wait3A_158 = arith.constant 0 : i32
      %dma_wait3A_159 = arith.constant 0 : i32
      %dma_wait3A_160 = tpu.memref_slice %arg4[%dma_wait3A_158, %dma_wait3A_159] : memref<800532x32xf32, #tpu.memory_space<hbm>> -> memref<800532x32xf32, #tpu.memory_space<hbm>>
      tpu.wait_indirect_dma semaphore(%arg10 : memref<!tpu.dma_semaphore, #tpu.memory_space<semaphore_mem>>) src(%dma_wait3A_160 : memref<800532x32xf32, #tpu.memory_space<hbm>>) dst(%dma_wait3A_154 : memref<128x32xf32, #tpu.memory_space<vmem>>)
      %dma_wait3A_161 = arith.constant 0 : i32
      %dma_wait3A_162 = arith.constant 512 : i32
      %dma_wait3A_163 = arith.constant 0 : i32
      %dma_wait3A_164 = tpu.memref_slice %arg8[%dma_wait3A_162, %dma_wait3A_163] : memref<1024x32xf32, #tpu.memory_space<vmem>> -> memref<128x32xf32, #tpu.memory_space<vmem>>
      %dma_wait3A_165 = arith.constant 0 : i32
      %dma_wait3A_166 = tpu.memref_slice %arg6[%dma_wait3A_161, %dma_wait3A_165] : memref<32x128xi32, #tpu.memory_space<vmem>> -> memref<1x128xi32, #tpu.memory_space<vmem>>
      %dma_wait3A_167 = tpu.memref_squeeze %dma_wait3A_166 : memref<1x128xi32, #tpu.memory_space<vmem>> -> memref<128xi32, #tpu.memory_space<vmem>>
      %dma_wait3A_168 = arith.constant 0 : i32
      %dma_wait3A_169 = arith.constant 0 : i32
      %dma_wait3A_170 = tpu.memref_slice %arg4[%dma_wait3A_168, %dma_wait3A_169] : memref<800532x32xf32, #tpu.memory_space<hbm>> -> memref<800532x32xf32, #tpu.memory_space<hbm>>
      tpu.wait_indirect_dma semaphore(%arg10 : memref<!tpu.dma_semaphore, #tpu.memory_space<semaphore_mem>>) src(%dma_wait3A_170 : memref<800532x32xf32, #tpu.memory_space<hbm>>) dst(%dma_wait3A_164 : memref<128x32xf32, #tpu.memory_space<vmem>>)
      %dma_wait3A_171 = arith.constant 0 : i32
      %dma_wait3A_172 = arith.constant 640 : i32
      %dma_wait3A_173 = arith.constant 0 : i32
      %dma_wait3A_174 = tpu.memref_slice %arg8[%dma_wait3A_172, %dma_wait3A_173] : memref<1024x32xf32, #tpu.memory_space<vmem>> -> memref<128x32xf32, #tpu.memory_space<vmem>>
      %dma_wait3A_175 = arith.constant 0 : i32
      %dma_wait3A_176 = tpu.memref_slice %arg6[%dma_wait3A_171, %dma_wait3A_175] : memref<32x128xi32, #tpu.memory_space<vmem>> -> memref<1x128xi32, #tpu.memory_space<vmem>>
      %dma_wait3A_177 = tpu.memref_squeeze %dma_wait3A_176 : memref<1x128xi32, #tpu.memory_space<vmem>> -> memref<128xi32, #tpu.memory_space<vmem>>
      %dma_wait3A_178 = arith.constant 0 : i32
      %dma_wait3A_179 = arith.constant 0 : i32
      %dma_wait3A_180 = tpu.memref_slice %arg4[%dma_wait3A_178, %dma_wait3A_179] : memref<800532x32xf32, #tpu.memory_space<hbm>> -> memref<800532x32xf32, #tpu.memory_space<hbm>>
      tpu.wait_indirect_dma semaphore(%arg10 : memref<!tpu.dma_semaphore, #tpu.memory_space<semaphore_mem>>) src(%dma_wait3A_180 : memref<800532x32xf32, #tpu.memory_space<hbm>>) dst(%dma_wait3A_174 : memref<128x32xf32, #tpu.memory_space<vmem>>)
      %dma_wait3A_181 = arith.constant 0 : i32
      %dma_wait3A_182 = arith.constant 768 : i32
      %dma_wait3A_183 = arith.constant 0 : i32
      %dma_wait3A_184 = tpu.memref_slice %arg8[%dma_wait3A_182, %dma_wait3A_183] : memref<1024x32xf32, #tpu.memory_space<vmem>> -> memref<128x32xf32, #tpu.memory_space<vmem>>
      %dma_wait3A_185 = arith.constant 0 : i32
      %dma_wait3A_186 = tpu.memref_slice %arg6[%dma_wait3A_181, %dma_wait3A_185] : memref<32x128xi32, #tpu.memory_space<vmem>> -> memref<1x128xi32, #tpu.memory_space<vmem>>
      %dma_wait3A_187 = tpu.memref_squeeze %dma_wait3A_186 : memref<1x128xi32, #tpu.memory_space<vmem>> -> memref<128xi32, #tpu.memory_space<vmem>>
      %dma_wait3A_188 = arith.constant 0 : i32
      %dma_wait3A_189 = arith.constant 0 : i32
      %dma_wait3A_190 = tpu.memref_slice %arg4[%dma_wait3A_188, %dma_wait3A_189] : memref<800532x32xf32, #tpu.memory_space<hbm>> -> memref<800532x32xf32, #tpu.memory_space<hbm>>
      tpu.wait_indirect_dma semaphore(%arg10 : memref<!tpu.dma_semaphore, #tpu.memory_space<semaphore_mem>>) src(%dma_wait3A_190 : memref<800532x32xf32, #tpu.memory_space<hbm>>) dst(%dma_wait3A_184 : memref<128x32xf32, #tpu.memory_space<vmem>>)
      %dma_wait3A_191 = arith.constant 0 : i32
      %dma_wait3A_192 = arith.constant 896 : i32
      %dma_wait3A_193 = arith.constant 0 : i32
      %dma_wait3A_194 = tpu.memref_slice %arg8[%dma_wait3A_192, %dma_wait3A_193] : memref<1024x32xf32, #tpu.memory_space<vmem>> -> memref<128x32xf32, #tpu.memory_space<vmem>>
      %dma_wait3A_195 = arith.constant 0 : i32
      %dma_wait3A_196 = tpu.memref_slice %arg6[%dma_wait3A_191, %dma_wait3A_195] : memref<32x128xi32, #tpu.memory_space<vmem>> -> memref<1x128xi32, #tpu.memory_space<vmem>>
      %dma_wait3A_197 = tpu.memref_squeeze %dma_wait3A_196 : memref<1x128xi32, #tpu.memory_space<vmem>> -> memref<128xi32, #tpu.memory_space<vmem>>
      %dma_wait3A_198 = arith.constant 0 : i32
      %dma_wait3A_199 = arith.constant 0 : i32
      %dma_wait3A_200 = tpu.memref_slice %arg4[%dma_wait3A_198, %dma_wait3A_199] : memref<800532x32xf32, #tpu.memory_space<hbm>> -> memref<800532x32xf32, #tpu.memory_space<hbm>>
      tpu.wait_indirect_dma semaphore(%arg10 : memref<!tpu.dma_semaphore, #tpu.memory_space<semaphore_mem>>) src(%dma_wait3A_200 : memref<800532x32xf32, #tpu.memory_space<hbm>>) dst(%dma_wait3A_194 : memref<128x32xf32, #tpu.memory_space<vmem>>)
      %add3A_201 = arith.constant 1 : i32
      %add3A_202 = arith.addi %mul3A_18, %add3A_201 : i32
      %mul3A_203 = arith.constant 8 : i32
      %mul3A_204 = arith.muli %add3A_202, %mul3A_203 : i32
      %add3A_205 = arith.constant 0 : i32
      %add3A_206 = arith.addi %mul3A_204, %add3A_205 : i32
      %dma_start3A_207 = arith.constant 0 : i32
      %dma_start3A_208 = arith.constant 0 : i32
      %dma_start3A_209 = tpu.memref_slice %arg9[%dma_start3A_207, %dma_start3A_208] : memref<1024x32xf32, #tpu.memory_space<vmem>> -> memref<128x32xf32, #tpu.memory_space<vmem>>
      %dma_start3A_210 = arith.constant 0 : i32
      %dma_start3A_211 = tpu.memref_slice %arg6[%add3A_206, %dma_start3A_210] : memref<32x128xi32, #tpu.memory_space<vmem>> -> memref<1x128xi32, #tpu.memory_space<vmem>>
      %dma_start3A_212 = tpu.memref_squeeze %dma_start3A_211 : memref<1x128xi32, #tpu.memory_space<vmem>> -> memref<128xi32, #tpu.memory_space<vmem>>
      %dma_start3A_213 = arith.constant 0 : i32
      %dma_start3A_214 = arith.constant 0 : i32
      %dma_start3A_215 = tpu.memref_slice %arg4[%dma_start3A_213, %dma_start3A_214] : memref<800532x32xf32, #tpu.memory_space<hbm>> -> memref<800532x32xf32, #tpu.memory_space<hbm>>
      tpu.enqueue_indirect_dma source(%dma_start3A_215 : memref<800532x32xf32, #tpu.memory_space<hbm>>) target(%dma_start3A_209 : memref<128x32xf32, #tpu.memory_space<vmem>>) offsets(%dma_start3A_212 : memref<128xi32, #tpu.memory_space<vmem>>) semaphore(%arg11 : memref<!tpu.dma_semaphore, #tpu.memory_space<semaphore_mem>>)
      %mul3A_216 = arith.constant 8 : i32
      %mul3A_217 = arith.muli %add3A_202, %mul3A_216 : i32
      %add3A_218 = arith.constant 1 : i32
      %add3A_219 = arith.addi %mul3A_217, %add3A_218 : i32
      %dma_start3A_220 = arith.constant 128 : i32
      %dma_start3A_221 = arith.constant 0 : i32
      %dma_start3A_222 = tpu.memref_slice %arg9[%dma_start3A_220, %dma_start3A_221] : memref<1024x32xf32, #tpu.memory_space<vmem>> -> memref<128x32xf32, #tpu.memory_space<vmem>>
      %dma_start3A_223 = arith.constant 0 : i32
      %dma_start3A_224 = tpu.memref_slice %arg6[%add3A_219, %dma_start3A_223] : memref<32x128xi32, #tpu.memory_space<vmem>> -> memref<1x128xi32, #tpu.memory_space<vmem>>
      %dma_start3A_225 = tpu.memref_squeeze %dma_start3A_224 : memref<1x128xi32, #tpu.memory_space<vmem>> -> memref<128xi32, #tpu.memory_space<vmem>>
      %dma_start3A_226 = arith.constant 0 : i32
      %dma_start3A_227 = arith.constant 0 : i32
      %dma_start3A_228 = tpu.memref_slice %arg4[%dma_start3A_226, %dma_start3A_227] : memref<800532x32xf32, #tpu.memory_space<hbm>> -> memref<800532x32xf32, #tpu.memory_space<hbm>>
      tpu.enqueue_indirect_dma source(%dma_start3A_228 : memref<800532x32xf32, #tpu.memory_space<hbm>>) target(%dma_start3A_222 : memref<128x32xf32, #tpu.memory_space<vmem>>) offsets(%dma_start3A_225 : memref<128xi32, #tpu.memory_space<vmem>>) semaphore(%arg11 : memref<!tpu.dma_semaphore, #tpu.memory_space<semaphore_mem>>)
      %mul3A_229 = arith.constant 8 : i32
      %mul3A_230 = arith.muli %add3A_202, %mul3A_229 : i32
      %add3A_231 = arith.constant 2 : i32
      %add3A_232 = arith.addi %mul3A_230, %add3A_231 : i32
      %dma_start3A_233 = arith.constant 256 : i32
      %dma_start3A_234 = arith.constant 0 : i32
      %dma_start3A_235 = tpu.memref_slice %arg9[%dma_start3A_233, %dma_start3A_234] : memref<1024x32xf32, #tpu.memory_space<vmem>> -> memref<128x32xf32, #tpu.memory_space<vmem>>
      %dma_start3A_236 = arith.constant 0 : i32
      %dma_start3A_237 = tpu.memref_slice %arg6[%add3A_232, %dma_start3A_236] : memref<32x128xi32, #tpu.memory_space<vmem>> -> memref<1x128xi32, #tpu.memory_space<vmem>>
      %dma_start3A_238 = tpu.memref_squeeze %dma_start3A_237 : memref<1x128xi32, #tpu.memory_space<vmem>> -> memref<128xi32, #tpu.memory_space<vmem>>
      %dma_start3A_239 = arith.constant 0 : i32
      %dma_start3A_240 = arith.constant 0 : i32
      %dma_start3A_241 = tpu.memref_slice %arg4[%dma_start3A_239, %dma_start3A_240] : memref<800532x32xf32, #tpu.memory_space<hbm>> -> memref<800532x32xf32, #tpu.memory_space<hbm>>
      tpu.enqueue_indirect_dma source(%dma_start3A_241 : memref<800532x32xf32, #tpu.memory_space<hbm>>) target(%dma_start3A_235 : memref<128x32xf32, #tpu.memory_space<vmem>>) offsets(%dma_start3A_238 : memref<128xi32, #tpu.memory_space<vmem>>) semaphore(%arg11 : memref<!tpu.dma_semaphore, #tpu.memory_space<semaphore_mem>>)
      %mul3A_242 = arith.constant 8 : i32
      %mul3A_243 = arith.muli %add3A_202, %mul3A_242 : i32
      %add3A_244 = arith.constant 3 : i32
      %add3A_245 = arith.addi %mul3A_243, %add3A_244 : i32
      %dma_start3A_246 = arith.constant 384 : i32
      %dma_start3A_247 = arith.constant 0 : i32
      %dma_start3A_248 = tpu.memref_slice %arg9[%dma_start3A_246, %dma_start3A_247] : memref<1024x32xf32, #tpu.memory_space<vmem>> -> memref<128x32xf32, #tpu.memory_space<vmem>>
      %dma_start3A_249 = arith.constant 0 : i32
      %dma_start3A_250 = tpu.memref_slice %arg6[%add3A_245, %dma_start3A_249] : memref<32x128xi32, #tpu.memory_space<vmem>> -> memref<1x128xi32, #tpu.memory_space<vmem>>
      %dma_start3A_251 = tpu.memref_squeeze %dma_start3A_250 : memref<1x128xi32, #tpu.memory_space<vmem>> -> memref<128xi32, #tpu.memory_space<vmem>>
      %dma_start3A_252 = arith.constant 0 : i32
      %dma_start3A_253 = arith.constant 0 : i32
      %dma_start3A_254 = tpu.memref_slice %arg4[%dma_start3A_252, %dma_start3A_253] : memref<800532x32xf32, #tpu.memory_space<hbm>> -> memref<800532x32xf32, #tpu.memory_space<hbm>>
      tpu.enqueue_indirect_dma source(%dma_start3A_254 : memref<800532x32xf32, #tpu.memory_space<hbm>>) target(%dma_start3A_248 : memref<128x32xf32, #tpu.memory_space<vmem>>) offsets(%dma_start3A_251 : memref<128xi32, #tpu.memory_space<vmem>>) semaphore(%arg11 : memref<!tpu.dma_semaphore, #tpu.memory_space<semaphore_mem>>)
      %mul3A_255 = arith.constant 8 : i32
      %mul3A_256 = arith.muli %add3A_202, %mul3A_255 : i32
      %add3A_257 = arith.constant 4 : i32
      %add3A_258 = arith.addi %mul3A_256, %add3A_257 : i32
      %dma_start3A_259 = arith.constant 512 : i32
      %dma_start3A_260 = arith.constant 0 : i32
      %dma_start3A_261 = tpu.memref_slice %arg9[%dma_start3A_259, %dma_start3A_260] : memref<1024x32xf32, #tpu.memory_space<vmem>> -> memref<128x32xf32, #tpu.memory_space<vmem>>
      %dma_start3A_262 = arith.constant 0 : i32
      %dma_start3A_263 = tpu.memref_slice %arg6[%add3A_258, %dma_start3A_262] : memref<32x128xi32, #tpu.memory_space<vmem>> -> memref<1x128xi32, #tpu.memory_space<vmem>>
      %dma_start3A_264 = tpu.memref_squeeze %dma_start3A_263 : memref<1x128xi32, #tpu.memory_space<vmem>> -> memref<128xi32, #tpu.memory_space<vmem>>
      %dma_start3A_265 = arith.constant 0 : i32
      %dma_start3A_266 = arith.constant 0 : i32
      %dma_start3A_267 = tpu.memref_slice %arg4[%dma_start3A_265, %dma_start3A_266] : memref<800532x32xf32, #tpu.memory_space<hbm>> -> memref<800532x32xf32, #tpu.memory_space<hbm>>
      tpu.enqueue_indirect_dma source(%dma_start3A_267 : memref<800532x32xf32, #tpu.memory_space<hbm>>) target(%dma_start3A_261 : memref<128x32xf32, #tpu.memory_space<vmem>>) offsets(%dma_start3A_264 : memref<128xi32, #tpu.memory_space<vmem>>) semaphore(%arg11 : memref<!tpu.dma_semaphore, #tpu.memory_space<semaphore_mem>>)
      %mul3A_268 = arith.constant 8 : i32
      %mul3A_269 = arith.muli %add3A_202, %mul3A_268 : i32
      %add3A_270 = arith.constant 5 : i32
      %add3A_271 = arith.addi %mul3A_269, %add3A_270 : i32
      %dma_start3A_272 = arith.constant 640 : i32
      %dma_start3A_273 = arith.constant 0 : i32
      %dma_start3A_274 = tpu.memref_slice %arg9[%dma_start3A_272, %dma_start3A_273] : memref<1024x32xf32, #tpu.memory_space<vmem>> -> memref<128x32xf32, #tpu.memory_space<vmem>>
      %dma_start3A_275 = arith.constant 0 : i32
      %dma_start3A_276 = tpu.memref_slice %arg6[%add3A_271, %dma_start3A_275] : memref<32x128xi32, #tpu.memory_space<vmem>> -> memref<1x128xi32, #tpu.memory_space<vmem>>
      %dma_start3A_277 = tpu.memref_squeeze %dma_start3A_276 : memref<1x128xi32, #tpu.memory_space<vmem>> -> memref<128xi32, #tpu.memory_space<vmem>>
      %dma_start3A_278 = arith.constant 0 : i32
      %dma_start3A_279 = arith.constant 0 : i32
      %dma_start3A_280 = tpu.memref_slice %arg4[%dma_start3A_278, %dma_start3A_279] : memref<800532x32xf32, #tpu.memory_space<hbm>> -> memref<800532x32xf32, #tpu.memory_space<hbm>>
      tpu.enqueue_indirect_dma source(%dma_start3A_280 : memref<800532x32xf32, #tpu.memory_space<hbm>>) target(%dma_start3A_274 : memref<128x32xf32, #tpu.memory_space<vmem>>) offsets(%dma_start3A_277 : memref<128xi32, #tpu.memory_space<vmem>>) semaphore(%arg11 : memref<!tpu.dma_semaphore, #tpu.memory_space<semaphore_mem>>)
      %mul3A_281 = arith.constant 8 : i32
      %mul3A_282 = arith.muli %add3A_202, %mul3A_281 : i32
      %add3A_283 = arith.constant 6 : i32
      %add3A_284 = arith.addi %mul3A_282, %add3A_283 : i32
      %dma_start3A_285 = arith.constant 768 : i32
      %dma_start3A_286 = arith.constant 0 : i32
      %dma_start3A_287 = tpu.memref_slice %arg9[%dma_start3A_285, %dma_start3A_286] : memref<1024x32xf32, #tpu.memory_space<vmem>> -> memref<128x32xf32, #tpu.memory_space<vmem>>
      %dma_start3A_288 = arith.constant 0 : i32
      %dma_start3A_289 = tpu.memref_slice %arg6[%add3A_284, %dma_start3A_288] : memref<32x128xi32, #tpu.memory_space<vmem>> -> memref<1x128xi32, #tpu.memory_space<vmem>>
      %dma_start3A_290 = tpu.memref_squeeze %dma_start3A_289 : memref<1x128xi32, #tpu.memory_space<vmem>> -> memref<128xi32, #tpu.memory_space<vmem>>
      %dma_start3A_291 = arith.constant 0 : i32
      %dma_start3A_292 = arith.constant 0 : i32
      %dma_start3A_293 = tpu.memref_slice %arg4[%dma_start3A_291, %dma_start3A_292] : memref<800532x32xf32, #tpu.memory_space<hbm>> -> memref<800532x32xf32, #tpu.memory_space<hbm>>
      tpu.enqueue_indirect_dma source(%dma_start3A_293 : memref<800532x32xf32, #tpu.memory_space<hbm>>) target(%dma_start3A_287 : memref<128x32xf32, #tpu.memory_space<vmem>>) offsets(%dma_start3A_290 : memref<128xi32, #tpu.memory_space<vmem>>) semaphore(%arg11 : memref<!tpu.dma_semaphore, #tpu.memory_space<semaphore_mem>>)
      %mul3A_294 = arith.constant 8 : i32
      %mul3A_295 = arith.muli %add3A_202, %mul3A_294 : i32
      %add3A_296 = arith.constant 7 : i32
      %add3A_297 = arith.addi %mul3A_295, %add3A_296 : i32
      %dma_start3A_298 = arith.constant 896 : i32
      %dma_start3A_299 = arith.constant 0 : i32
      %dma_start3A_300 = tpu.memref_slice %arg9[%dma_start3A_298, %dma_start3A_299] : memref<1024x32xf32, #tpu.memory_space<vmem>> -> memref<128x32xf32, #tpu.memory_space<vmem>>
      %dma_start3A_301 = arith.constant 0 : i32
      %dma_start3A_302 = tpu.memref_slice %arg6[%add3A_297, %dma_start3A_301] : memref<32x128xi32, #tpu.memory_space<vmem>> -> memref<1x128xi32, #tpu.memory_space<vmem>>
      %dma_start3A_303 = tpu.memref_squeeze %dma_start3A_302 : memref<1x128xi32, #tpu.memory_space<vmem>> -> memref<128xi32, #tpu.memory_space<vmem>>
      %dma_start3A_304 = arith.constant 0 : i32
      %dma_start3A_305 = arith.constant 0 : i32
      %dma_start3A_306 = tpu.memref_slice %arg4[%dma_start3A_304, %dma_start3A_305] : memref<800532x32xf32, #tpu.memory_space<hbm>> -> memref<800532x32xf32, #tpu.memory_space<hbm>>
      tpu.enqueue_indirect_dma source(%dma_start3A_306 : memref<800532x32xf32, #tpu.memory_space<hbm>>) target(%dma_start3A_300 : memref<128x32xf32, #tpu.memory_space<vmem>>) offsets(%dma_start3A_303 : memref<128xi32, #tpu.memory_space<vmem>>) semaphore(%arg11 : memref<!tpu.dma_semaphore, #tpu.memory_space<semaphore_mem>>)
      %mul3A_307 = arith.constant 1024 : i32
      %mul3A_308 = arith.muli %mul3A_18, %mul3A_307 : i32
      %add3A_309 = arith.addi %mul3A_2, %mul3A_308 : i32
      "tpu.region"() ({
        %run_scoped3A = tpu.sem_alloc : memref<!tpu.dma_semaphore, #tpu.memory_space<semaphore_mem>>
        %dma_start3A_395 = arith.constant 0 : i32
        %dma_start3A_396 = tpu.memref_slice %arg5[%add3A_309, %dma_start3A_395] : memref<131072x32xf32, #tpu.memory_space<hbm>> -> memref<1024x32xf32, #tpu.memory_space<hbm>>
        %dma_start3A_397 = arith.constant 0 : i32
        %dma_start3A_398 = tpu.memref_slice %arg5[%add3A_309, %dma_start3A_397] : memref<131072x32xf32, #tpu.memory_space<hbm>> -> memref<1024x32xf32, #tpu.memory_space<hbm>>
        tpu.enqueue_dma source(%arg8 : memref<1024x32xf32, #tpu.memory_space<vmem>>) target(%dma_start3A_398 : memref<1024x32xf32, #tpu.memory_space<hbm>>) target_semaphore(%run_scoped3A : memref<!tpu.dma_semaphore, #tpu.memory_space<semaphore_mem>>)
        %dma_wait3A_399 = arith.constant 0 : i32
        %dma_wait3A_400 = tpu.memref_slice %arg5[%add3A_309, %dma_wait3A_399] : memref<131072x32xf32, #tpu.memory_space<hbm>> -> memref<1024x32xf32, #tpu.memory_space<hbm>>
        %dma_wait3A_401 = arith.constant 0 : i32
        %dma_wait3A_402 = tpu.memref_slice %arg5[%add3A_309, %dma_wait3A_401] : memref<131072x32xf32, #tpu.memory_space<hbm>> -> memref<1024x32xf32, #tpu.memory_space<hbm>>
        tpu.wait_dma2 semaphore(%run_scoped3A : memref<!tpu.dma_semaphore, #tpu.memory_space<semaphore_mem>>) src(%arg8 : memref<1024x32xf32, #tpu.memory_space<vmem>>) dst(%dma_wait3A_402 : memref<1024x32xf32, #tpu.memory_space<hbm>>)
        tpu.yield
      }) : () -> ()
      %dma_wait3A_310 = arith.constant 0 : i32
      %dma_wait3A_311 = arith.constant 0 : i32
      %dma_wait3A_312 = arith.constant 0 : i32
      %dma_wait3A_313 = tpu.memref_slice %arg9[%dma_wait3A_311, %dma_wait3A_312] : memref<1024x32xf32, #tpu.memory_space<vmem>> -> memref<128x32xf32, #tpu.memory_space<vmem>>
      %dma_wait3A_314 = arith.constant 0 : i32
      %dma_wait3A_315 = tpu.memref_slice %arg6[%dma_wait3A_310, %dma_wait3A_314] : memref<32x128xi32, #tpu.memory_space<vmem>> -> memref<1x128xi32, #tpu.memory_space<vmem>>
      %dma_wait3A_316 = tpu.memref_squeeze %dma_wait3A_315 : memref<1x128xi32, #tpu.memory_space<vmem>> -> memref<128xi32, #tpu.memory_space<vmem>>
      %dma_wait3A_317 = arith.constant 0 : i32
      %dma_wait3A_318 = arith.constant 0 : i32
      %dma_wait3A_319 = tpu.memref_slice %arg4[%dma_wait3A_317, %dma_wait3A_318] : memref<800532x32xf32, #tpu.memory_space<hbm>> -> memref<800532x32xf32, #tpu.memory_space<hbm>>
      tpu.wait_indirect_dma semaphore(%arg11 : memref<!tpu.dma_semaphore, #tpu.memory_space<semaphore_mem>>) src(%dma_wait3A_319 : memref<800532x32xf32, #tpu.memory_space<hbm>>) dst(%dma_wait3A_313 : memref<128x32xf32, #tpu.memory_space<vmem>>)
      %dma_wait3A_320 = arith.constant 0 : i32
      %dma_wait3A_321 = arith.constant 128 : i32
      %dma_wait3A_322 = arith.constant 0 : i32
      %dma_wait3A_323 = tpu.memref_slice %arg9[%dma_wait3A_321, %dma_wait3A_322] : memref<1024x32xf32, #tpu.memory_space<vmem>> -> memref<128x32xf32, #tpu.memory_space<vmem>>
      %dma_wait3A_324 = arith.constant 0 : i32
      %dma_wait3A_325 = tpu.memref_slice %arg6[%dma_wait3A_320, %dma_wait3A_324] : memref<32x128xi32, #tpu.memory_space<vmem>> -> memref<1x128xi32, #tpu.memory_space<vmem>>
      %dma_wait3A_326 = tpu.memref_squeeze %dma_wait3A_325 : memref<1x128xi32, #tpu.memory_space<vmem>> -> memref<128xi32, #tpu.memory_space<vmem>>
      %dma_wait3A_327 = arith.constant 0 : i32
      %dma_wait3A_328 = arith.constant 0 : i32
      %dma_wait3A_329 = tpu.memref_slice %arg4[%dma_wait3A_327, %dma_wait3A_328] : memref<800532x32xf32, #tpu.memory_space<hbm>> -> memref<800532x32xf32, #tpu.memory_space<hbm>>
      tpu.wait_indirect_dma semaphore(%arg11 : memref<!tpu.dma_semaphore, #tpu.memory_space<semaphore_mem>>) src(%dma_wait3A_329 : memref<800532x32xf32, #tpu.memory_space<hbm>>) dst(%dma_wait3A_323 : memref<128x32xf32, #tpu.memory_space<vmem>>)
      %dma_wait3A_330 = arith.constant 0 : i32
      %dma_wait3A_331 = arith.constant 256 : i32
      %dma_wait3A_332 = arith.constant 0 : i32
      %dma_wait3A_333 = tpu.memref_slice %arg9[%dma_wait3A_331, %dma_wait3A_332] : memref<1024x32xf32, #tpu.memory_space<vmem>> -> memref<128x32xf32, #tpu.memory_space<vmem>>
      %dma_wait3A_334 = arith.constant 0 : i32
      %dma_wait3A_335 = tpu.memref_slice %arg6[%dma_wait3A_330, %dma_wait3A_334] : memref<32x128xi32, #tpu.memory_space<vmem>> -> memref<1x128xi32, #tpu.memory_space<vmem>>
      %dma_wait3A_336 = tpu.memref_squeeze %dma_wait3A_335 : memref<1x128xi32, #tpu.memory_space<vmem>> -> memref<128xi32, #tpu.memory_space<vmem>>
      %dma_wait3A_337 = arith.constant 0 : i32
      %dma_wait3A_338 = arith.constant 0 : i32
      %dma_wait3A_339 = tpu.memref_slice %arg4[%dma_wait3A_337, %dma_wait3A_338] : memref<800532x32xf32, #tpu.memory_space<hbm>> -> memref<800532x32xf32, #tpu.memory_space<hbm>>
      tpu.wait_indirect_dma semaphore(%arg11 : memref<!tpu.dma_semaphore, #tpu.memory_space<semaphore_mem>>) src(%dma_wait3A_339 : memref<800532x32xf32, #tpu.memory_space<hbm>>) dst(%dma_wait3A_333 : memref<128x32xf32, #tpu.memory_space<vmem>>)
      %dma_wait3A_340 = arith.constant 0 : i32
      %dma_wait3A_341 = arith.constant 384 : i32
      %dma_wait3A_342 = arith.constant 0 : i32
      %dma_wait3A_343 = tpu.memref_slice %arg9[%dma_wait3A_341, %dma_wait3A_342] : memref<1024x32xf32, #tpu.memory_space<vmem>> -> memref<128x32xf32, #tpu.memory_space<vmem>>
      %dma_wait3A_344 = arith.constant 0 : i32
      %dma_wait3A_345 = tpu.memref_slice %arg6[%dma_wait3A_340, %dma_wait3A_344] : memref<32x128xi32, #tpu.memory_space<vmem>> -> memref<1x128xi32, #tpu.memory_space<vmem>>
      %dma_wait3A_346 = tpu.memref_squeeze %dma_wait3A_345 : memref<1x128xi32, #tpu.memory_space<vmem>> -> memref<128xi32, #tpu.memory_space<vmem>>
      %dma_wait3A_347 = arith.constant 0 : i32
      %dma_wait3A_348 = arith.constant 0 : i32
      %dma_wait3A_349 = tpu.memref_slice %arg4[%dma_wait3A_347, %dma_wait3A_348] : memref<800532x32xf32, #tpu.memory_space<hbm>> -> memref<800532x32xf32, #tpu.memory_space<hbm>>
      tpu.wait_indirect_dma semaphore(%arg11 : memref<!tpu.dma_semaphore, #tpu.memory_space<semaphore_mem>>) src(%dma_wait3A_349 : memref<800532x32xf32, #tpu.memory_space<hbm>>) dst(%dma_wait3A_343 : memref<128x32xf32, #tpu.memory_space<vmem>>)
      %dma_wait3A_350 = arith.constant 0 : i32
      %dma_wait3A_351 = arith.constant 512 : i32
      %dma_wait3A_352 = arith.constant 0 : i32
      %dma_wait3A_353 = tpu.memref_slice %arg9[%dma_wait3A_351, %dma_wait3A_352] : memref<1024x32xf32, #tpu.memory_space<vmem>> -> memref<128x32xf32, #tpu.memory_space<vmem>>
      %dma_wait3A_354 = arith.constant 0 : i32
      %dma_wait3A_355 = tpu.memref_slice %arg6[%dma_wait3A_350, %dma_wait3A_354] : memref<32x128xi32, #tpu.memory_space<vmem>> -> memref<1x128xi32, #tpu.memory_space<vmem>>
      %dma_wait3A_356 = tpu.memref_squeeze %dma_wait3A_355 : memref<1x128xi32, #tpu.memory_space<vmem>> -> memref<128xi32, #tpu.memory_space<vmem>>
      %dma_wait3A_357 = arith.constant 0 : i32
      %dma_wait3A_358 = arith.constant 0 : i32
      %dma_wait3A_359 = tpu.memref_slice %arg4[%dma_wait3A_357, %dma_wait3A_358] : memref<800532x32xf32, #tpu.memory_space<hbm>> -> memref<800532x32xf32, #tpu.memory_space<hbm>>
      tpu.wait_indirect_dma semaphore(%arg11 : memref<!tpu.dma_semaphore, #tpu.memory_space<semaphore_mem>>) src(%dma_wait3A_359 : memref<800532x32xf32, #tpu.memory_space<hbm>>) dst(%dma_wait3A_353 : memref<128x32xf32, #tpu.memory_space<vmem>>)
      %dma_wait3A_360 = arith.constant 0 : i32
      %dma_wait3A_361 = arith.constant 640 : i32
      %dma_wait3A_362 = arith.constant 0 : i32
      %dma_wait3A_363 = tpu.memref_slice %arg9[%dma_wait3A_361, %dma_wait3A_362] : memref<1024x32xf32, #tpu.memory_space<vmem>> -> memref<128x32xf32, #tpu.memory_space<vmem>>
      %dma_wait3A_364 = arith.constant 0 : i32
      %dma_wait3A_365 = tpu.memref_slice %arg6[%dma_wait3A_360, %dma_wait3A_364] : memref<32x128xi32, #tpu.memory_space<vmem>> -> memref<1x128xi32, #tpu.memory_space<vmem>>
      %dma_wait3A_366 = tpu.memref_squeeze %dma_wait3A_365 : memref<1x128xi32, #tpu.memory_space<vmem>> -> memref<128xi32, #tpu.memory_space<vmem>>
      %dma_wait3A_367 = arith.constant 0 : i32
      %dma_wait3A_368 = arith.constant 0 : i32
      %dma_wait3A_369 = tpu.memref_slice %arg4[%dma_wait3A_367, %dma_wait3A_368] : memref<800532x32xf32, #tpu.memory_space<hbm>> -> memref<800532x32xf32, #tpu.memory_space<hbm>>
      tpu.wait_indirect_dma semaphore(%arg11 : memref<!tpu.dma_semaphore, #tpu.memory_space<semaphore_mem>>) src(%dma_wait3A_369 : memref<800532x32xf32, #tpu.memory_space<hbm>>) dst(%dma_wait3A_363 : memref<128x32xf32, #tpu.memory_space<vmem>>)
      %dma_wait3A_370 = arith.constant 0 : i32
      %dma_wait3A_371 = arith.constant 768 : i32
      %dma_wait3A_372 = arith.constant 0 : i32
      %dma_wait3A_373 = tpu.memref_slice %arg9[%dma_wait3A_371, %dma_wait3A_372] : memref<1024x32xf32, #tpu.memory_space<vmem>> -> memref<128x32xf32, #tpu.memory_space<vmem>>
      %dma_wait3A_374 = arith.constant 0 : i32
      %dma_wait3A_375 = tpu.memref_slice %arg6[%dma_wait3A_370, %dma_wait3A_374] : memref<32x128xi32, #tpu.memory_space<vmem>> -> memref<1x128xi32, #tpu.memory_space<vmem>>
      %dma_wait3A_376 = tpu.memref_squeeze %dma_wait3A_375 : memref<1x128xi32, #tpu.memory_space<vmem>> -> memref<128xi32, #tpu.memory_space<vmem>>
      %dma_wait3A_377 = arith.constant 0 : i32
      %dma_wait3A_378 = arith.constant 0 : i32
      %dma_wait3A_379 = tpu.memref_slice %arg4[%dma_wait3A_377, %dma_wait3A_378] : memref<800532x32xf32, #tpu.memory_space<hbm>> -> memref<800532x32xf32, #tpu.memory_space<hbm>>
      tpu.wait_indirect_dma semaphore(%arg11 : memref<!tpu.dma_semaphore, #tpu.memory_space<semaphore_mem>>) src(%dma_wait3A_379 : memref<800532x32xf32, #tpu.memory_space<hbm>>) dst(%dma_wait3A_373 : memref<128x32xf32, #tpu.memory_space<vmem>>)
      %dma_wait3A_380 = arith.constant 0 : i32
      %dma_wait3A_381 = arith.constant 896 : i32
      %dma_wait3A_382 = arith.constant 0 : i32
      %dma_wait3A_383 = tpu.memref_slice %arg9[%dma_wait3A_381, %dma_wait3A_382] : memref<1024x32xf32, #tpu.memory_space<vmem>> -> memref<128x32xf32, #tpu.memory_space<vmem>>
      %dma_wait3A_384 = arith.constant 0 : i32
      %dma_wait3A_385 = tpu.memref_slice %arg6[%dma_wait3A_380, %dma_wait3A_384] : memref<32x128xi32, #tpu.memory_space<vmem>> -> memref<1x128xi32, #tpu.memory_space<vmem>>
      %dma_wait3A_386 = tpu.memref_squeeze %dma_wait3A_385 : memref<1x128xi32, #tpu.memory_space<vmem>> -> memref<128xi32, #tpu.memory_space<vmem>>
      %dma_wait3A_387 = arith.constant 0 : i32
      %dma_wait3A_388 = arith.constant 0 : i32
      %dma_wait3A_389 = tpu.memref_slice %arg4[%dma_wait3A_387, %dma_wait3A_388] : memref<800532x32xf32, #tpu.memory_space<hbm>> -> memref<800532x32xf32, #tpu.memory_space<hbm>>
      tpu.wait_indirect_dma semaphore(%arg11 : memref<!tpu.dma_semaphore, #tpu.memory_space<semaphore_mem>>) src(%dma_wait3A_389 : memref<800532x32xf32, #tpu.memory_space<hbm>>) dst(%dma_wait3A_383 : memref<128x32xf32, #tpu.memory_space<vmem>>)
      %add3A_390 = arith.constant 1 : i32
      %add3A_391 = arith.addi %mul3A_18, %add3A_390 : i32
      %mul3A_392 = arith.constant 1024 : i32
      %mul3A_393 = arith.muli %add3A_391, %mul3A_392 : i32
      %add3A_394 = arith.addi %mul3A_2, %mul3A_393 : i32
      "tpu.region"() ({
        %run_scoped3A = tpu.sem_alloc : memref<!tpu.dma_semaphore, #tpu.memory_space<semaphore_mem>>
        %dma_start3A_395 = arith.constant 0 : i32
        %dma_start3A_396 = tpu.memref_slice %arg5[%add3A_394, %dma_start3A_395] : memref<131072x32xf32, #tpu.memory_space<hbm>> -> memref<1024x32xf32, #tpu.memory_space<hbm>>
        %dma_start3A_397 = arith.constant 0 : i32
        %dma_start3A_398 = tpu.memref_slice %arg5[%add3A_394, %dma_start3A_397] : memref<131072x32xf32, #tpu.memory_space<hbm>> -> memref<1024x32xf32, #tpu.memory_space<hbm>>
        tpu.enqueue_dma source(%arg9 : memref<1024x32xf32, #tpu.memory_space<vmem>>) target(%dma_start3A_398 : memref<1024x32xf32, #tpu.memory_space<hbm>>) target_semaphore(%run_scoped3A : memref<!tpu.dma_semaphore, #tpu.memory_space<semaphore_mem>>)
        %dma_wait3A_399 = arith.constant 0 : i32
        %dma_wait3A_400 = tpu.memref_slice %arg5[%add3A_394, %dma_wait3A_399] : memref<131072x32xf32, #tpu.memory_space<hbm>> -> memref<1024x32xf32, #tpu.memory_space<hbm>>
        %dma_wait3A_401 = arith.constant 0 : i32
        %dma_wait3A_402 = tpu.memref_slice %arg5[%add3A_394, %dma_wait3A_401] : memref<131072x32xf32, #tpu.memory_space<hbm>> -> memref<1024x32xf32, #tpu.memory_space<hbm>>
        tpu.wait_dma2 semaphore(%run_scoped3A : memref<!tpu.dma_semaphore, #tpu.memory_space<semaphore_mem>>) src(%arg9 : memref<1024x32xf32, #tpu.memory_space<vmem>>) dst(%dma_wait3A_402 : memref<1024x32xf32, #tpu.memory_space<hbm>>)
        tpu.yield
      }) : () -> ()
    }
    %scan3A_15 = arith.constant 2 : i32
    return
  }
}

</mosaic_0001>

<sc_bundles>
// kernel: kernel.3.cloned.1.call-start
scs
__scs_entry_jumppad:
0x0: {  	(pc) =	sbr.rel $0x88, $3  }
0x1: {  	(tag) =	ssettag $0x0;
	lr =	simm.s32 $0x1  }
0x2: {  	[smem:$0x3F9E] =	sst lr;
	_ =	strace $0xD0000000  }
0x3: {  	_ = 	snop  }
0x4: {  	_ = 	snop  }
0x5: {  	_ = 	snop  }
0x6: {  	_ = 	snop  }
0x7: {  	_ = 	snop  }
__scs_overlays_trampoline_lowered:
0x8: {  	[smem:$0x3FAD] =	sst s0  }
0x9: {  	[smem:$0x3FAE] =	sst s1  }
0xa: {  	[smem:$0x3FAF] =	sst s2  }
0xb: {  	[smem:$0x3FB0] =	sst s3  }
0xc: {  	[smem:$0x3FB1] =	sst s4  }
0xd: {  	[smem:$0x3FB2] =	sst s5  }
0xe: {  	[smem:$0x3FB3] =	sst s6  }
0xf: {  	[smem:$0x3FB4] =	sst s7  }
0x10: {  	[smem:$0x3FB5] =	sst s8  }
0x11: {  	[smem:$0x3FB6] =	sst s9;
	s0 =	simm.s32 @!p0 $0x0  }
0x12: {  	s1 =	sld [smem:$0x3F9C];
	s0 =	simm.s32 @p0 $0x1  }
0x13: {  	[smem:$0x3FB7] =	sst s0;
	s0 =	simm.s32 @!p1 $0x0  }
0x14: {  	s2 =	sld [smem:$0x3F9B];
	s0 =	simm.s32 @p1 $0x1  }
0x15: {  	[smem:$0x3FB8] =	sst s0;
	s0 =	simm.s32 @!p2 $0x0  }
0x16: {  	s3 =	sld [smem:$0x3FDB];
	s0 =	simm.s32 @p2 $0x1  }
0x17: {  	s4 =	simm.s32 $0x1BF5;
	[smem:$0x3FBA] =	sst s0  }
0x18: {  	s0 =	sld [smem:$0x3F9D];
	_ =	swait.ge [sflag:s4], $0x0  }
0x19: {  	s7 =	sld [smem:$0x3F9E]  }
0x1a: {  	s8 =	sadd.s32 $0xFFFFE003, lr  }
0x1b: {  	s9 =	sadd.s32 $0xFFFFFEF7, lr;
	s5 =	simm.s32 $0xFFFFFFFF;
	p2 =	slt.u32 s8, $0xFFFFF086  }
0x1c: {  	p1 =	slt.u32 s9, $0xF7A;
	s5 =	simm.s32 @!p2 $0x0  }
0x1d: {  	s5 =	simm.s32 @p1 $0x1;
	p0 =	seq.s32 s7, s2  }
0x1e: {  	s7 =	smul.u32 @!p0 $0xF7A, s2;
	p2 =	seq.s32 @!p0 s5, $0x0  }
0x1f: {  	s9 =	smul.u32 $0xF7A, s1;
	s8 =	simm.s32 @!p0 $0x1BF5;
	p2 =	por !p2, p0  }
0x20: {  	[sflag:s8] =	ssyncset.s32 @!p0 $0xFFFFF086;
	s6 =	sadd.s32 @!p0 s3, s7;
	s7 =	simm.s32 @!p0 $0x108  }
0x21: {  	s3 =	sadd.s32 s3, s9;
	s6 =	sadd.s32 @!p0 $0x88, s6;
	s7 =	simm.s32 @p2 $0x1082  }
0x22: {  	[simem:s7], [sflag:s8] =	dma.local @!p0 [hbm:s6], $0xF7A  }
0x23: {  	s9 =	sor.u32 $0xD0000000, s2;
	s6 =	simm.s32 $0x108;
	_ =	swait.ge @!p0 [sflag:s8], $0x0  }
0x24: {  	s3 =	sadd.s32 $0x88, s3;
	s6 =	simm.s32 @!p1 $0x1082;
	[sflag:s4] =	ssyncset.s32 $0xFFFFF086  }
0x25: {  	[simem:s6], [sflag:s4] =	dma.local [hbm:s3], $0xF7A  }
0x26: {  	[smem:$0x3F9E] =	sst s1;
	(tag) =	ssettag s2;
	_ =	strace s9  }
0x27: {  	s1 =	sld [smem:$0x3FAE]  }
0x28: {  	s2 =	sld [smem:$0x3FAF]  }
0x29: {  	s4 =	sld [smem:$0x3FB1]  }
0x2a: {  	p0 =	seq.s32 s5, $0x0;
	s5 =	sld [smem:$0x3FB2]  }
0x2b: {  	s6 =	sld [smem:$0x3FB3]  }
0x2c: {  	s7 =	sld [smem:$0x3FB4]  }
0x2d: {  	s3 =	simm.s32 $0x108;
	s8 =	sld [smem:$0x3FB5]  }
0x2e: {  	s3 =	simm.s32 @!p0 $0x1082;
	s9 =	sld [smem:$0x3FB6]  }
0x2f: {  	lr =	sadd.s32 s0, s3;
	s0 =	sld [smem:$0x3FAD]  }
0x30: {  	s3 =	sld [smem:$0x3FB0]  }
0x31: {  	[smem:$0x3FB9] =	sst s10  }
0x32: {  	s10 =	sld [smem:$0x3FB7];
	_ =	sdelay $0x3  }
0x33: {  	p0 =	seq.s32 s10, $0x1;
	s10 =	sld [smem:$0x3FB9];
	_ =	sdelay $0x3  }
0x34: {  	[smem:$0x3FB9] =	sst s10  }
0x35: {  	s10 =	sld [smem:$0x3FB8];
	_ =	sdelay $0x3  }
0x36: {  	p1 =	seq.s32 s10, $0x1;
	s10 =	sld [smem:$0x3FB9];
	_ =	sdelay $0x3  }
0x37: {  	[smem:$0x3FB9] =	sst s10  }
0x38: {  	s10 =	sld [smem:$0x3FBA]  }
0x39: {  	_ = 	snop;
	(pc) =	sbr.ind lr, $3  }
0x3a: {  	_ = 	snop  }
0x3b: {  	_ = 	snop  }
0x3c: {  	p2 =	seq.s32 s10, $0x1;
	s10 =	sld [smem:$0x3FB9]  }
0x3d: {  	_ =	shalt  }
0x3e: {  	_ =	shalt  }
0x3f: {  	_ =	shalt  }
0x40: {  	_ =	shalt  }
0x41: {  	_ =	shalt  }
0x42: {  	_ =	shalt  }
0x43: {  	_ =	shalt  }
0x44: {  	_ =	shalt  }
0x45: {  	_ =	shalt  }
0x46: {  	_ =	shalt  }
0x47: {  	_ =	shalt  }
0x48: {  	_ =	shalt  }
0x49: {  	_ =	shalt  }
0x4a: {  	_ =	shalt  }
0x4b: {  	_ =	shalt  }
0x4c: {  	_ =	shalt  }
0x4d: {  	_ =	shalt  }
0x4e: {  	_ =	shalt  }
0x4f: {  	_ =	shalt  }
0x50: {  	_ =	shalt  }
0x51: {  	_ =	shalt  }
0x52: {  	_ =	shalt  }
0x53: {  	_ =	shalt  }
0x54: {  	_ =	shalt  }
0x55: {  	_ =	shalt  }
0x56: {  	_ =	shalt  }
0x57: {  	_ =	shalt  }
0x58: {  	_ =	shalt  }
0x59: {  	_ =	shalt  }
0x5a: {  	_ =	shalt  }
0x5b: {  	_ =	shalt  }
0x5c: {  	_ =	shalt  }
0x5d: {  	_ =	shalt  }
0x5e: {  	_ =	shalt  }
0x5f: {  	_ =	shalt  }
0x60: {  	_ =	shalt  }
0x61: {  	_ =	shalt  }
0x62: {  	_ =	shalt  }
0x63: {  	_ =	shalt  }
0x64: {  	_ =	shalt  }
0x65: {  	_ =	shalt  }
0x66: {  	_ =	shalt  }
0x67: {  	_ =	shalt  }
0x68: {  	_ =	shalt  }
0x69: {  	_ =	shalt  }
0x6a: {  	_ =	shalt  }
0x6b: {  	_ =	shalt  }
0x6c: {  	_ =	shalt  }
0x6d: {  	_ =	shalt  }
0x6e: {  	_ =	shalt  }
0x6f: {  	_ =	shalt  }
0x70: {  	_ =	shalt  }
0x71: {  	_ =	shalt  }
0x72: {  	_ =	shalt  }
0x73: {  	_ =	shalt  }
0x74: {  	_ =	shalt  }
0x75: {  	_ =	shalt  }
0x76: {  	_ =	shalt  }
0x77: {  	_ =	shalt  }
0x78: {  	_ =	shalt  }
0x79: {  	_ =	shalt  }
0x7a: {  	_ =	shalt  }
0x7b: {  	_ =	shalt  }
0x7c: {  	_ =	shalt  }
0x7d: {  	_ =	shalt  }
0x7e: {  	_ =	shalt  }
0x7f: {  	_ =	shalt  }
0x80: {  	_ =	shalt  }
0x81: {  	_ =	shalt  }
0x82: {  	_ =	shalt  }
0x83: {  	_ =	shalt  }
0x84: {  	_ =	shalt  }
0x85: {  	_ =	shalt  }
0x86: {  	_ =	shalt  }
0x87: {  	_ =	shalt  }
.Lfunc_end0:
.L_simem_size_0:
called_computation_lowered:
.L_overlay_start_0:
0x88: {  	s2 =	sld [smem:$0x3FD9]  }
0x89: {  	s3 =	sld [smem:$0x3FFE];
	_ =	sdelay $0x1  }
0x8a: {  	s1 =	srdreg.scid  }
0x8b: {  	s0 =	sand.u32 $0x1, s1  }
0x8c: {  	s17 =	sshll.u32 s0, $0xA;
	s2 =	sadd.s32 s3, s2  }
0x8d: {  	s2 =	sadd.s32 s2, s17  }
0x8e: {  	[smem:$0x3FC5] =	sst s2  }
0x8f: {  	_ = 	snop  }
0x90: {  	s2 =	sld [smem:$0x3FD0];
	(tm) =	ssettm $0x1  }
0x91: {  	s18 =	sld [smem:$0x3FFB];
	_ =	sdelay $0x3  }
0x92: {  	_ =	strace s18  }
0x93: {  	s3 =	sld [smem:$0x3FFC];
	_ =	sdelay $0x3  }
0x94: {  	_ =	strace s3  }
0x95: {  	s3 =	sld [smem:$0x3FFD];
	_ =	sdelay $0x3  }
0x96: {  	_ =	strace s3  }
0x97: {  	_ =	strace $0x8FFFFFFF  }
0x98: {  	s19 =	sld [smem:$0x3FDB];
	_ =	sdelay $0x1  }
0x99: {  	s4 =	simm.s32 $_scs_section_size  }
0x9a: {  	s5 =	simm.s32 $_size__tile_overlayer_lowered;
	s6 =	simm.s32 $_tile_overlayer_lowered  }
0x9b: {  	s22 =	simm.s32 $0x1BFF;
	s21 =	sshll.u32 s6, $0x1;
	s3 =	sadd.s32 s4, s19  }
0x9c: {  	s7 =	simm.s32 $0x0;
	s20 =	sshll.u32 s5, $0x1;
	s5 =	sadd.s32 s21, s3  }
0x9d: {  	[timem:s7], [sflag:s22] =	dma.local [hbm:s5], s20  }
0x9e: {  	_ =	swait.ge [sflag:s22], s20  }
0x9f: {  	s4 =	ssub.s32 $0x0, s20;
	[sflag:s22] =	ssyncset.done $0x0  }
0xa0: {  	[sflag:s22] =	ssyncadd.s32 s4;
	_ =	sdelay $0x1  }
0xa1: {  	s23 =	simm.s32 $0x1B8B  }
0xa2: {  	_ =	swait.ge [sflag:s23], $0x1  }
0xa3: {  	[sflag:s23] =	ssyncset.done $0x0  }
0xa4: {  	s25 =	simm.s32 $0x1B8E;
	s24 =	sld [smem:$0x3FFE];
	[sflag:s23] =	ssyncadd.s32 $0xFFFFFFFF  }
0xa5: {  	s26 =	simm.s32 $execute0_lowered;
	[smem:$0x3FD2] =	sst s25  }
0xa6: {  	s5 =	sshll.u32 s26, $0x1;
	_ =	strace $0x80000046;
	[dreg:$0x1] =	wrdreg $0xFFFFFFFF  }
0xa7: {  	s28 =	simm.s32 $_size_execute0_lowered;
	s3 =	sadd.s32 s3, s5;
	[dreg:$0x0] =	wrdreg $0x0  }
0xa8: {  	s5 =	sshll.u32 s28, $0x1;
	[dreg:$0x2] =	wrdreg s3  }
0xa9: {  	[dreg:$0x3] =	wrdreg s5  }
0xaa: {  	[dreg:$0x4] =	wrdreg $0xC0  }
0xab: {  	_ =	task [dreg:s7], $0x5FFFF  }
0xac: {  	[dreg:$0x1] =	wrdreg $0xFFFFFFFF  }
0xad: {  	[dreg:$0x0] =	wrdreg $0x60  }
0xae: {  	[dreg:$0x2] =	wrdreg s24  }
0xaf: {  	[dreg:$0x3] =	wrdreg s2  }
0xb0: {  	[dreg:$0x4] =	wrdreg $0x9  }
0xb1: {  	_ =	task.clear_ibuf [dreg:s7], $0x5FFFF;
	_ =	strace $0x90000046  }
0xb2: {  	s29 =	simm.s32 $0x9;
	_ =	strace $0x80000048  }
0xb3: {  	_ =	swait.ge [sflag:s29], $0x1  }
0xb4: {  	[sflag:s29] =	ssyncadd.s32 $0xFFFFFFFF  }
0xb5: {  	_ =	strace $0x90000048  }
0xb6: {  	_ =	sfence  }
0xb7: {  	s30 =	sld [smem:$0x0];
	_ =	sdelay $0x2  }
0xb8: {  	s31 =	sshll.u32 s1, $0xD;
	s1 =	sshrl.u32 s1, $0x2  }
0xb9: {  	s3 =	sand.u32 $0x4000, s31;
	s1 =	sadd.s32 s1, s30  }
0xba: {  	s0 =	sor.u32 s3, s0;
	s1 =	sshll.u32 s1, $0x11  }
0xbb: {  	s0 =	sor.u32 s1, s0  }
0xbc: {  	s0 =	sadd.s32 $0x8F2B, s0  }
0xbd: {  	[sflag:s0] =	ssyncadd.remote.s32 $0x1  }
0xbe: {  	_ =	sfence.sel $0xFFFF  }
0xbf: {  	[dreg:$0x0] =	wrdreg $0xFFFFFFFF;
	(pc) =	sbr.abs _section_cstart, $3  }
0xc0: {  	[dreg:$0x1] =	wrdreg $0xFFFFFFFF  }
0xc1: {  	_ =	task.clear_ibuf [dreg:s7], $0x2FFFF;
	_ =	strace $0x9FFFFFFF  }
0xc2: {  	(tm) =	ssettm $0x7FFFFFFF  }
0xc3: {  	_ =	shalt  }
tec
execute0_lowered:
.L_overlay_start_1:
0x0: {  	(tag) =	ssettag $0x1  }
0x1: {  	s0 =	srdreg.scid  }
0x2: {  	s1 =	rddreg [dreg:$0x0];
	s2 =	stileid.u32  }
0x3: {  	s3 =	rddreg [dreg:$0x1];
	s11 =	simm.s32 $0x3;
	s13 =	simm.s32 $0x80  }
0x4: {  	s14 =	simm.s32 $0x1010;
	s15 =	simm.s32 $0x2010;
	s17 =	simm.s32 $0x3010  }
0x5: {  	s19 =	simm.s32 $0x4010;
	s21 =	simm.s32 $0x5010;
	s23 =	simm.s32 $0x6010  }
0x6: {  	s28 =	simm.s32 $0x8010;
	s29 =	simm.s32 $0x1;
	s31 =	simm.s32 $0x9010  }
0x7: {  	s16 =	simm.s32 $0xB010;
	s20 =	simm.s32 $0xC010;
	s30 =	simm.s32 $0xE010  }
0x8: {  	s12 =	simm.s32 $0xF010;
	s22 =	simm.s32 $0x10010;
	s0 =	sand.u32 $0x1, s0  }
0x9: {  	s4 =	sshll.u32 s2, $0xD;
	s2 =	simm.s32 $0x0;
	s24 =	sadd.s32 $0x4800, s1  }
0xa: {  	s5 =	sshll.u32 s0, $0xC;
	[smem:$0x7FF] =	sst s2;
	s0 =	ssub.s32 $0x2, s0  }
0xb: {  	s4 =	sor.u32 s5, s4;
	_ =	strace $0x80000047;
	[dreg:$0x3] =	wrdreg s24  }
0xc: {  	s25 =	sshrl.u32 s0, $0x1;
	s24 =	simm.s32 $0xD010;
	s5 =	sshrl.u32 s4, $0x3  }
0xd: {  	s7 =	sshll.u32 s4, $0x2;
	s4 =	sadd.s32 $0xC37A00, s1;
	s0 =	ssub.s32 s0, s25  }
0xe: {  	s25 =	simm.s32 $0x7010;
	s6 =	sadd.s32 s5, s1;
	s5 =	sadd.s32 s3, s7  }
0xf: {  	s7 =	smax.u32 s0, $0x1;
	s0 =	simm.s32 $0xA010;
	s1 =	simm.s32 $0x0  }
0x10: {  	s26 =	sadd.s32 $0x800, s6;
	s8 =	sadd.s32 $0x1000, s5;
	s9 =	sadd.s32 $0x2000, s5  }
0x11: {  	s10 =	sadd.s32 $0x3000, s5;
	[dreg:$0x4] =	wrdreg s26;
	s26 =	simm.s32 $0x2  }
.LBB2_1:
0x12: {  	s3 =	rddreg [dreg:$0x4]  }
0x13: {  	[tilespmem:s2], [sflag:$0x3] =	stream.linear.gather [hbm4b:s3+s2], $0x1000, $0x38;
	[tilespmem:$0x11010] =	vst v63  }
0x14: {  	_ =	swait.ge [sflag:s11], $0x1000  }
0x15: {  	[sflag:s11] =	ssyncset.done $0x0  }
0x16: {  	s6 =	simm.s32 $0x1000;
	s18 =	rddreg [dreg:$0x3];
	[sflag:s11] =	ssyncadd.s32 $0xFFFFF000  }
0x17: {  	[tilespmem:s6], [sflag:$0x3] =	stream.linear.gather [hbm4b:s18+s2], $0x10, $0x38;
	[tilespmem:$0x11010] =	vst v63  }
0x18: {  	_ =	swait.ge [sflag:s11], $0x10  }
0x19: {  	[sflag:s11] =	ssyncset.done $0x0  }
0x1a: {  	[sflag:s11] =	ssyncadd.s32 $0xFFFFFFF0  }
0x1b: {  	s18 =	simm.s32 $0x0;
	v0 =	vld [tilespmem:$0x1000]  }
0x1c: {  	v3 =	vld [tilespmem:s18+$0x0]  }
0x1d: {  	v5 =	vld [tilespmem:s18+$0x10]  }
0x1e: {  	v4 =	vld [tilespmem:s18+$0x20]  }
0x1f: {  	v2 =	vld [tilespmem:s18+$0x30]  }
0x20: {  	v1 =	vld [tilespmem:s18+$0x40]  }
0x21: {  	v6 =	vadd.s32 v0, v3;
	v3 =	vld [tilespmem:s18+$0x50]  }
0x22: {  	s3 =	simm.s32 $0x200;
	[tilespmem:s18+$0x0] =	vst v6;
	v6 =	vadd.s32 v0, v5;
	v5 =	vld [tilespmem:s18+$0x60]  }
.LBB2_2:
0x23: {  	s6 =	sshra.s32 s3, $0x2;
	p0 =	sne.s32 s3, $0x3E00;
	[tilespmem:s18+$0x10] =	vst v6;
	v4 =	vadd.s32 v0, v4;
	v6 =	vld [tilespmem:s18+$0x70]  }
0x24: {  	v7 =	vld [tilespmem:s6+$0x0];
	[tilespmem:s18+$0x20] =	vst v4;
	v2 =	vadd.s32 v0, v2  }
0x25: {  	v8 =	vld [tilespmem:s6+$0x10];
	[tilespmem:s18+$0x30] =	vst v2;
	v1 =	vadd.s32 v0, v1  }
.Ltmp0:
0x26: {  	v4 =	vld [tilespmem:s6+$0x20];
	[tilespmem:s18+$0x40] =	vst v1;
	v1 =	vadd.s32 v0, v3;
	(pc) =	sbr.rel @p0 .LBB2_2-.Ltmp0, $4  }
0x27: {  	v2 =	vld [tilespmem:s6+$0x30];
	[tilespmem:s18+$0x50] =	vst v1;
	v3 =	vadd.s32 v0, v5  }
0x28: {  	v1 =	vld [tilespmem:s6+$0x40];
	[tilespmem:s18+$0x60] =	vst v3;
	v5 =	vadd.s32 v0, v6  }
0x29: {  	v6 =	vadd.s32 v0, v7;
	v3 =	vld [tilespmem:s6+$0x50];
	[tilespmem:s18+$0x70] =	vst v5;
	s18 =	smov.u32 s6  }
0x2a: {  	s3 =	sadd.s32 $0x200, s3;
	[tilespmem:s18+$0x0] =	vst v6;
	v6 =	vadd.s32 v0, v8;
	v5 =	vld [tilespmem:s18+$0x60]  }
0x2b: {  	[tilespmem:s18+$0x10] =	vst v6;
	v4 =	vadd.s32 v0, v4;
	v60 =	vld [tilespmem:s18+$0x70]  }
0x2c: {  	[tilespmem:s18+$0x20] =	vst v4;
	v2 =	vadd.s32 v0, v2  }
0x2d: {  	[tilespmem:s18+$0x30] =	vst v2;
	v1 =	vadd.s32 v0, v1  }
0x2e: {  	[tilespmem:s18+$0x40] =	vst v1;
	v61 =	vadd.s32 v0, v3  }
0x2f: {  	[tilespmem:s18+$0x50] =	vst v61;
	v62 =	vadd.s32 v0, v5  }
0x30: {  	[tilespmem:s18+$0x60] =	vst v62;
	v63 =	vadd.s32 v0, v60  }
0x31: {  	[tilespmem:s18+$0x70] =	vst v63  }
0x32: {  	[tilespmem:s14], [sflag:$0x1] =	stream.indirect.gather [hbm4b:s4+s13], $0x20, s2, s13, $0xb8;
	[tilespmem:$0x11010] =	vst v63  }
0x33: {  	_ = 	snop  }
0x34: {  	[tilespmem:s15], [sflag:$0x1] =	stream.indirect.gather [hbm4b:s4+s13], $0x20, s13, s13, $0xb8;
	[tilespmem:$0x11010] =	vst v63  }
0x35: {  	s3 =	simm.s32 $0x100  }
0x36: {  	[tilespmem:s17], [sflag:$0x1] =	stream.indirect.gather [hbm4b:s4+s13], $0x20, s3, s13, $0xb8;
	[tilespmem:$0x11010] =	vst v63  }
0x37: {  	s18 =	simm.s32 $0x180  }
0x38: {  	[tilespmem:s19], [sflag:$0x1] =	stream.indirect.gather [hbm4b:s4+s13], $0x20, s18, s13, $0xb8;
	[tilespmem:$0x11010] =	vst v63  }
0x39: {  	s6 =	simm.s32 $0x200  }
0x3a: {  	[tilespmem:s21], [sflag:$0x1] =	stream.indirect.gather [hbm4b:s4+s13], $0x20, s6, s13, $0xb8;
	[tilespmem:$0x11010] =	vst v63  }
0x3b: {  	s18 =	simm.s32 $0x280  }
0x3c: {  	[tilespmem:s23], [sflag:$0x1] =	stream.indirect.gather [hbm4b:s4+s13], $0x20, s18, s13, $0xb8;
	[tilespmem:$0x11010] =	vst v63  }
0x3d: {  	s6 =	simm.s32 $0x300  }
0x3e: {  	[tilespmem:s25], [sflag:$0x1] =	stream.indirect.gather [hbm4b:s4+s13], $0x20, s6, s13, $0xb8;
	[tilespmem:$0x11010] =	vst v63  }
0x3f: {  	s18 =	simm.s32 $0x380  }
0x40: {  	[tilespmem:s28], [sflag:$0x1] =	stream.indirect.gather [hbm4b:s4+s13], $0x20, s18, s13, $0xb8;
	[tilespmem:$0x11010] =	vst v63  }
0x41: {  	_ =	swait.ge [sflag:s29], $0x1000  }
0x42: {  	[sflag:s29] =	ssyncset.done $0x0  }
0x43: {  	[sflag:s29] =	ssyncadd.s32 $0xFFFFF000  }
0x44: {  	_ =	swait.ge [sflag:s29], $0x1000  }
0x45: {  	[sflag:s29] =	ssyncset.done $0x0  }
0x46: {  	[sflag:s29] =	ssyncadd.s32 $0xFFFFF000  }
0x47: {  	_ =	swait.ge [sflag:s29], $0x1000  }
0x48: {  	[sflag:s29] =	ssyncset.done $0x0  }
0x49: {  	[sflag:s29] =	ssyncadd.s32 $0xFFFFF000  }
0x4a: {  	_ =	swait.ge [sflag:s29], $0x1000  }
0x4b: {  	[sflag:s29] =	ssyncset.done $0x0  }
0x4c: {  	[sflag:s29] =	ssyncadd.s32 $0xFFFFF000  }
0x4d: {  	_ =	swait.ge [sflag:s29], $0x1000  }
0x4e: {  	[sflag:s29] =	ssyncset.done $0x0  }
0x4f: {  	[sflag:s29] =	ssyncadd.s32 $0xFFFFF000  }
0x50: {  	_ =	swait.ge [sflag:s29], $0x1000  }
0x51: {  	[sflag:s29] =	ssyncset.done $0x0  }
0x52: {  	[sflag:s29] =	ssyncadd.s32 $0xFFFFF000  }
0x53: {  	_ =	swait.ge [sflag:s29], $0x1000  }
0x54: {  	[sflag:s29] =	ssyncset.done $0x0  }
0x55: {  	[sflag:s29] =	ssyncadd.s32 $0xFFFFF000  }
0x56: {  	_ =	swait.ge [sflag:s29], $0x1000  }
0x57: {  	[sflag:s29] =	ssyncset.done $0x0  }
0x58: {  	s6 =	simm.s32 $0x400;
	[sflag:s29] =	ssyncadd.s32 $0xFFFFF000  }
0x59: {  	[tilespmem:s31], [sflag:$0x2] =	stream.indirect.gather [hbm4b:s4+s13], $0x20, s6, s13, $0xb8;
	[tilespmem:$0x11010] =	vst v63  }
0x5a: {  	s18 =	simm.s32 $0x480  }
0x5b: {  	[tilespmem:s0], [sflag:$0x2] =	stream.indirect.gather [hbm4b:s4+s13], $0x20, s18, s13, $0xb8;
	[tilespmem:$0x11010] =	vst v63  }
0x5c: {  	s6 =	simm.s32 $0x500  }
0x5d: {  	[tilespmem:s16], [sflag:$0x2] =	stream.indirect.gather [hbm4b:s4+s13], $0x20, s6, s13, $0xb8;
	[tilespmem:$0x11010] =	vst v63  }
0x5e: {  	s18 =	simm.s32 $0x580  }
0x5f: {  	[tilespmem:s20], [sflag:$0x2] =	stream.indirect.gather [hbm4b:s4+s13], $0x20, s18, s13, $0xb8;
	[tilespmem:$0x11010] =	vst v63  }
0x60: {  	s6 =	simm.s32 $0x600  }
0x61: {  	[tilespmem:s24], [sflag:$0x2] =	stream.indirect.gather [hbm4b:s4+s13], $0x20, s6, s13, $0xb8;
	[tilespmem:$0x11010] =	vst v63  }
0x62: {  	s18 =	simm.s32 $0x680  }
0x63: {  	[tilespmem:s30], [sflag:$0x2] =	stream.indirect.gather [hbm4b:s4+s13], $0x20, s18, s13, $0xb8;
	[tilespmem:$0x11010] =	vst v63  }
0x64: {  	s6 =	simm.s32 $0x700  }
0x65: {  	[tilespmem:s12], [sflag:$0x2] =	stream.indirect.gather [hbm4b:s4+s13], $0x20, s6, s13, $0xb8;
	[tilespmem:$0x11010] =	vst v63  }
0x66: {  	s18 =	simm.s32 $0x780  }
0x67: {  	[tilespmem:s22], [sflag:$0x2] =	stream.indirect.gather [hbm4b:s4+s13], $0x20, s18, s13, $0xb8;
	[tilespmem:$0x11010] =	vst v63  }
0x68: {  	_ = 	snop  }
0x69: {  	[hbm4b:s5+s2] =	stream.linear.scatter [tilespmem:s14], [sflag:$0x3], $0x8000, $0x38;
	[tilespmem:$0x11010] =	vst v63  }
0x6a: {  	_ =	swait.ge [sflag:s11], $0x8000  }
0x6b: {  	[sflag:s11] =	ssyncset.done $0x0  }
0x6c: {  	[sflag:s11] =	ssyncadd.s32 $0xFFFF8000  }
0x6d: {  	_ =	swait.ge [sflag:s26], $0x1000  }
0x6e: {  	[sflag:s26] =	ssyncset.done $0x0  }
0x6f: {  	[sflag:s26] =	ssyncadd.s32 $0xFFFFF000  }
0x70: {  	_ =	swait.ge [sflag:s26], $0x1000  }
0x71: {  	[sflag:s26] =	ssyncset.done $0x0  }
0x72: {  	[sflag:s26] =	ssyncadd.s32 $0xFFFFF000  }
0x73: {  	_ =	swait.ge [sflag:s26], $0x1000  }
0x74: {  	[sflag:s26] =	ssyncset.done $0x0  }
0x75: {  	[sflag:s26] =	ssyncadd.s32 $0xFFFFF000  }
0x76: {  	_ =	swait.ge [sflag:s26], $0x1000  }
0x77: {  	[sflag:s26] =	ssyncset.done $0x0  }
0x78: {  	[sflag:s26] =	ssyncadd.s32 $0xFFFFF000  }
0x79: {  	_ =	swait.ge [sflag:s26], $0x1000  }
0x7a: {  	[sflag:s26] =	ssyncset.done $0x0  }
0x7b: {  	[sflag:s26] =	ssyncadd.s32 $0xFFFFF000  }
0x7c: {  	_ =	swait.ge [sflag:s26], $0x1000  }
0x7d: {  	[sflag:s26] =	ssyncset.done $0x0  }
0x7e: {  	[sflag:s26] =	ssyncadd.s32 $0xFFFFF000  }
0x7f: {  	_ =	swait.ge [sflag:s26], $0x1000  }
0x80: {  	[sflag:s26] =	ssyncset.done $0x0  }
0x81: {  	[sflag:s26] =	ssyncadd.s32 $0xFFFFF000  }
0x82: {  	_ =	swait.ge [sflag:s26], $0x1000  }
0x83: {  	[sflag:s26] =	ssyncset.done $0x0  }
0x84: {  	[sflag:s26] =	ssyncadd.s32 $0xFFFFF000  }
0x85: {  	[hbm4b:s8+s2] =	stream.linear.scatter [tilespmem:s31], [sflag:$0x3], $0x8000, $0x38;
	[tilespmem:$0x11010] =	vst v63  }
0x86: {  	_ =	swait.ge [sflag:s11], $0x8000  }
0x87: {  	[sflag:s11] =	ssyncset.done $0x0  }
0x88: {  	s6 =	simm.s32 $0x800;
	[sflag:s11] =	ssyncadd.s32 $0xFFFF8000  }
0x89: {  	[tilespmem:s14], [sflag:$0x1] =	stream.indirect.gather [hbm4b:s4+s13], $0x20, s6, s13, $0xb8;
	[tilespmem:$0x11010] =	vst v63  }
0x8a: {  	s18 =	simm.s32 $0x880  }
0x8b: {  	[tilespmem:s15], [sflag:$0x1] =	stream.indirect.gather [hbm4b:s4+s13], $0x20, s18, s13, $0xb8;
	[tilespmem:$0x11010] =	vst v63  }
0x8c: {  	s6 =	simm.s32 $0x900  }
0x8d: {  	[tilespmem:s17], [sflag:$0x1] =	stream.indirect.gather [hbm4b:s4+s13], $0x20, s6, s13, $0xb8;
	[tilespmem:$0x11010] =	vst v63  }
0x8e: {  	s18 =	simm.s32 $0x980  }
0x8f: {  	[tilespmem:s19], [sflag:$0x1] =	stream.indirect.gather [hbm4b:s4+s13], $0x20, s18, s13, $0xb8;
	[tilespmem:$0x11010] =	vst v63  }
0x90: {  	s6 =	simm.s32 $0xA00  }
0x91: {  	[tilespmem:s21], [sflag:$0x1] =	stream.indirect.gather [hbm4b:s4+s13], $0x20, s6, s13, $0xb8;
	[tilespmem:$0x11010] =	vst v63  }
0x92: {  	s18 =	simm.s32 $0xA80  }
0x93: {  	[tilespmem:s23], [sflag:$0x1] =	stream.indirect.gather [hbm4b:s4+s13], $0x20, s18, s13, $0xb8;
	[tilespmem:$0x11010] =	vst v63  }
0x94: {  	s6 =	simm.s32 $0xB00  }
0x95: {  	[tilespmem:s25], [sflag:$0x1] =	stream.indirect.gather [hbm4b:s4+s13], $0x20, s6, s13, $0xb8;
	[tilespmem:$0x11010] =	vst v63  }
0x96: {  	s18 =	simm.s32 $0xB80  }
0x97: {  	[tilespmem:s28], [sflag:$0x1] =	stream.indirect.gather [hbm4b:s4+s13], $0x20, s18, s13, $0xb8;
	[tilespmem:$0x11010] =	vst v63  }
0x98: {  	_ =	swait.ge [sflag:s29], $0x1000  }
0x99: {  	[sflag:s29] =	ssyncset.done $0x0  }
0x9a: {  	[sflag:s29] =	ssyncadd.s32 $0xFFFFF000  }
0x9b: {  	_ =	swait.ge [sflag:s29], $0x1000  }
0x9c: {  	[sflag:s29] =	ssyncset.done $0x0  }
0x9d: {  	[sflag:s29] =	ssyncadd.s32 $0xFFFFF000  }
0x9e: {  	_ =	swait.ge [sflag:s29], $0x1000  }
0x9f: {  	[sflag:s29] =	ssyncset.done $0x0  }
0xa0: {  	[sflag:s29] =	ssyncadd.s32 $0xFFFFF000  }
0xa1: {  	_ =	swait.ge [sflag:s29], $0x1000  }
0xa2: {  	[sflag:s29] =	ssyncset.done $0x0  }
0xa3: {  	[sflag:s29] =	ssyncadd.s32 $0xFFFFF000  }
0xa4: {  	_ =	swait.ge [sflag:s29], $0x1000  }
0xa5: {  	[sflag:s29] =	ssyncset.done $0x0  }
0xa6: {  	[sflag:s29] =	ssyncadd.s32 $0xFFFFF000  }
0xa7: {  	_ =	swait.ge [sflag:s29], $0x1000  }
0xa8: {  	[sflag:s29] =	ssyncset.done $0x0  }
0xa9: {  	[sflag:s29] =	ssyncadd.s32 $0xFFFFF000  }
0xaa: {  	_ =	swait.ge [sflag:s29], $0x1000  }
0xab: {  	[sflag:s29] =	ssyncset.done $0x0  }
0xac: {  	[sflag:s29] =	ssyncadd.s32 $0xFFFFF000  }
0xad: {  	_ =	swait.ge [sflag:s29], $0x1000  }
0xae: {  	[sflag:s29] =	ssyncset.done $0x0  }
0xaf: {  	s6 =	simm.s32 $0xC00;
	[sflag:s29] =	ssyncadd.s32 $0xFFFFF000  }
0xb0: {  	[tilespmem:s31], [sflag:$0x2] =	stream.indirect.gather [hbm4b:s4+s13], $0x20, s6, s13, $0xb8;
	[tilespmem:$0x11010] =	vst v63  }
0xb1: {  	s18 =	simm.s32 $0xC80  }
0xb2: {  	[tilespmem:s0], [sflag:$0x2] =	stream.indirect.gather [hbm4b:s4+s13], $0x20, s18, s13, $0xb8;
	[tilespmem:$0x11010] =	vst v63  }
0xb3: {  	s6 =	simm.s32 $0xD00  }
0xb4: {  	[tilespmem:s16], [sflag:$0x2] =	stream.indirect.gather [hbm4b:s4+s13], $0x20, s6, s13, $0xb8;
	[tilespmem:$0x11010] =	vst v63  }
0xb5: {  	s18 =	simm.s32 $0xD80  }
0xb6: {  	[tilespmem:s20], [sflag:$0x2] =	stream.indirect.gather [hbm4b:s4+s13], $0x20, s18, s13, $0xb8;
	[tilespmem:$0x11010] =	vst v63  }
0xb7: {  	s6 =	simm.s32 $0xE00  }
0xb8: {  	[tilespmem:s24], [sflag:$0x2] =	stream.indirect.gather [hbm4b:s4+s13], $0x20, s6, s13, $0xb8;
	[tilespmem:$0x11010] =	vst v63  }
0xb9: {  	s18 =	simm.s32 $0xE80  }
0xba: {  	[tilespmem:s30], [sflag:$0x2] =	stream.indirect.gather [hbm4b:s4+s13], $0x20, s18, s13, $0xb8;
	[tilespmem:$0x11010] =	vst v63  }
0xbb: {  	s6 =	simm.s32 $0xF00  }
0xbc: {  	[tilespmem:s12], [sflag:$0x2] =	stream.indirect.gather [hbm4b:s4+s13], $0x20, s6, s13, $0xb8;
	[tilespmem:$0x11010] =	vst v63  }
0xbd: {  	s18 =	simm.s32 $0xF80  }
0xbe: {  	[tilespmem:s22], [sflag:$0x2] =	stream.indirect.gather [hbm4b:s4+s13], $0x20, s18, s13, $0xb8;
	[tilespmem:$0x11010] =	vst v63  }
0xbf: {  	_ = 	snop  }
0xc0: {  	[hbm4b:s9+s2] =	stream.linear.scatter [tilespmem:s14], [sflag:$0x3], $0x8000, $0x38;
	[tilespmem:$0x11010] =	vst v63  }
0xc1: {  	_ =	swait.ge [sflag:s11], $0x8000  }
0xc2: {  	[sflag:s11] =	ssyncset.done $0x0  }
0xc3: {  	[sflag:s11] =	ssyncadd.s32 $0xFFFF8000  }
0xc4: {  	_ =	swait.ge [sflag:s26], $0x1000  }
0xc5: {  	[sflag:s26] =	ssyncset.done $0x0  }
0xc6: {  	[sflag:s26] =	ssyncadd.s32 $0xFFFFF000  }
0xc7: {  	_ =	swait.ge [sflag:s26], $0x1000  }
0xc8: {  	[sflag:s26] =	ssyncset.done $0x0  }
0xc9: {  	[sflag:s26] =	ssyncadd.s32 $0xFFFFF000  }
0xca: {  	_ =	swait.ge [sflag:s26], $0x1000  }
0xcb: {  	[sflag:s26] =	ssyncset.done $0x0  }
0xcc: {  	[sflag:s26] =	ssyncadd.s32 $0xFFFFF000  }
0xcd: {  	_ =	swait.ge [sflag:s26], $0x1000  }
0xce: {  	[sflag:s26] =	ssyncset.done $0x0  }
0xcf: {  	[sflag:s26] =	ssyncadd.s32 $0xFFFFF000  }
0xd0: {  	_ =	swait.ge [sflag:s26], $0x1000  }
0xd1: {  	[sflag:s26] =	ssyncset.done $0x0  }
0xd2: {  	[sflag:s26] =	ssyncadd.s32 $0xFFFFF000  }
0xd3: {  	_ =	swait.ge [sflag:s26], $0x1000  }
0xd4: {  	[sflag:s26] =	ssyncset.done $0x0  }
0xd5: {  	[sflag:s26] =	ssyncadd.s32 $0xFFFFF000  }
0xd6: {  	_ =	swait.ge [sflag:s26], $0x1000  }
0xd7: {  	[sflag:s26] =	ssyncset.done $0x0  }
0xd8: {  	[sflag:s26] =	ssyncadd.s32 $0xFFFFF000  }
0xd9: {  	s1 =	sadd.s32 $0x1, s1;
	_ =	swait.ge [sflag:s26], $0x1000  }
0xda: {  	p0 =	sne.s32 s1, s7;
	[sflag:s26] =	ssyncset.done $0x0  }
.Ltmp1:
0xdb: {  	[sflag:s26] =	ssyncadd.s32 $0xFFFFF000;
	(pc) =	sbr.rel @p0 .LBB2_1-.Ltmp1, $4  }
0xdc: {  	[hbm4b:s10+s2] =	stream.linear.scatter [tilespmem:s31], [sflag:$0x3], $0x8000, $0x38;
	[tilespmem:$0x11010] =	vst v63  }
0xdd: {  	_ =	swait.ge [sflag:s11], $0x8000  }
0xde: {  	[sflag:s11] =	ssyncset.done $0x0  }
0xdf: {  	[sflag:s11] =	ssyncadd.s32 $0xFFFF8000  }
0xe0: {  	_ =	sfence.sel $0x180000  }
0xe1: {  	[bflag:$0x0] =	sbarrier.arrive $0xFFFF  }
0xe2: {  	_ =	strace $0x90000047  }
0xe3: {  	s0 =	stileid.u32;
	[bflag:$0x2] =	sbarrier.arrive $0xFFFF  }
0xe4: {  	p0 =	sne.s32 s0, $0x0;
	s0 =	rddreg [dreg:$0x2]  }
0xe5: {  	s0 =	sadd.s32 @!p0 $0x100000, s0  }
0xe6: {  	[sflag:s0] =	ssyncadd.tile.s32 @!p0 $0x1;
	_ =	shalt  }
.Lfunc_end2:
_tile_overlayer_lowered:
.L_overlay_start_2:
0xe7: {  	(tag) =	ssettag $0x2  }
0xe8: {  	s0 =	rddreg [dreg:$0x0];
	s2 =	stileid.u32  }
0xe9: {  	s1 =	rddreg [dreg:$0x1];
	p0 =	sne.s32 s2, $0x0  }
0xea: {  	s3 =	rddreg [dreg:$0x2];
	[bflag:$0x3] =	sbarrier.arrive $0xFFFF;
	s2 =	simm.s32 @!p0 $0x1C03  }
0xeb: {  	[timem:s3], [sflag:s2] =	dma.local @!p0 [hbm:s0], s1  }
0xec: {  	s0 =	simm.s32 @!p0 $0x3  }
0xed: {  	_ =	swait.ge @!p0 [sflag:s0], s1  }
0xee: {  	s1 =	ssub.s32 @!p0 $0x0, s1;
	[sflag:s0] =	ssyncset.done @!p0 $0x0  }
0xef: {  	[sflag:s0] =	ssyncadd.s32 @!p0 s1  }
0xf0: {  	[bflag:$0x3] =	sbarrier.arrive $0xFFFF  }
0xf1: {  	_ =	shalt  }

</sc_bundles>
